<compile_context>
chip_gen: v7x
topology: tpu7x:2x2x1
jax: 0.10.2.dev20260603
libtpu: 0.0.44.dev20260713+nightly
codegen_flags: <defaults>
</compile_context>

<pallas_src>
import dataclasses
import functools

import jax
import jax.numpy as jnp
from jax import lax
from jax.experimental import pallas as pl
from jax.experimental.pallas import tpu as pltpu
from jax.experimental.pallas import tpu_sc as plsc

NUM_GROUP = 256
GROUP_SIZE = 32
_INF = float("inf")


def _fps_body(x_ref, y_ref, z_ref, cx_ref, cy_ref, cz_ref):
    B, N = x_ref.shape
    G = cx_ref.shape[1]
    lane = lax.broadcasted_iota(jnp.int32, (B, N), 1)
    glane = lax.broadcasted_iota(jnp.int32, (B, G), 1)

    x = x_ref[...]
    y = y_ref[...]
    z = z_ref[...]

    lx0 = x[:, 0:1]
    ly0 = y[:, 0:1]
    lz0 = z[:, 0:1]
    cx_ref[...] = jnp.where(glane == 0, lx0, 0.0)
    cy_ref[...] = jnp.where(glane == 0, ly0, 0.0)
    cz_ref[...] = jnp.where(glane == 0, lz0, 0.0)

    def body(i, carry):
        lx, ly, lz, dists = carry
        dx = x - lx
        dy = y - ly
        dz = z - lz
        d = dx * dx + dy * dy + dz * dz
        dn = jnp.minimum(dists, d)
        m = jnp.max(dn, axis=1, keepdims=True)
        nxt = jnp.min(jnp.where(dn == m, lane, N), axis=1, keepdims=True)
        msk = lane == nxt
        nlx = jnp.sum(jnp.where(msk, x, 0.0), axis=1, keepdims=True)
        nly = jnp.sum(jnp.where(msk, y, 0.0), axis=1, keepdims=True)
        nlz = jnp.sum(jnp.where(msk, z, 0.0), axis=1, keepdims=True)
        cx_ref[...] = jnp.where(glane == i, nlx, cx_ref[...])
        cy_ref[...] = jnp.where(glane == i, nly, cy_ref[...])
        cz_ref[...] = jnp.where(glane == i, nlz, cz_ref[...])
        return (nlx, nly, nlz, dn)

    lax.fori_loop(1, G, body,
                  (lx0, ly0, lz0, jnp.full((B, N), 1e10, jnp.float32)),
                  unroll=False)


def _fps_centers(x, y, z):
    B, N = x.shape
    out = jax.ShapeDtypeStruct((B, NUM_GROUP), jnp.float32)
    return pl.pallas_call(
        _fps_body,
        out_shape=[out, out, out],
    )(x, y, z)


def _sc_mesh():
    return plsc.VectorSubcoreMesh(core_axis_name="c", subcore_axis_name="s")


def _merge32(K0, I0, K1, I1, C, CI):
    sC, sCI = plsc.sort_key_val(C, CI)
    rC = lax.rev(sC, (0,))
    rCI = lax.rev(sCI, (0,))
    selA = K1 <= rC
    mlo = jnp.where(selA, K1, rC)
    mli = jnp.where(selA, I1, rCI)
    T, TI = plsc.sort_key_val(mlo, mli)
    rT = lax.rev(T, (0,))
    rTI = lax.rev(TI, (0,))
    selB = K0 <= rT
    l = jnp.where(selB, K0, rT)
    li = jnp.where(selB, I0, rTI)
    h = jnp.where(selB, rT, K0)
    hi = jnp.where(selB, rTI, I0)
    K0, I0 = plsc.sort_key_val(l, li)
    K1, I1 = plsc.sort_key_val(h, hi)
    return K0, I0, K1, I1


def _round_bf16(v):
    u = plsc.bitcast(v, jnp.int32)
    r = (u + 0x7FFF + (lax.shift_right_logical(u, 16) & 1)) & -65536
    return plsc.bitcast(r, jnp.float32)


def _knn_sc_body(x_hbm, y_hbm, z_hbm, cx_hbm, cy_hbm, cz_hbm, out_hbm,
                 xv, yv, zv, xb, yb, zb, xn2v, d2buf, candi,
                 cxv, cyv, czv, neigh_v):
    N = xv.shape[0]
    GSH = cxv.shape[0]
    NBLK = 32
    CPB = N // (NBLK * 16)

    wid = lax.axis_index("s") * 2 + lax.axis_index("c")
    b = wid // 4
    q = wid % 4

    pltpu.sync_copy(x_hbm.at[b], xv)
    pltpu.sync_copy(y_hbm.at[b], yv)
    pltpu.sync_copy(z_hbm.at[b], zv)
    pltpu.sync_copy(cx_hbm.at[b, pl.ds(q * GSH, GSH)], cxv)
    pltpu.sync_copy(cy_hbm.at[b, pl.ds(q * GSH, GSH)], cyv)
    pltpu.sync_copy(cz_hbm.at[b, pl.ds(q * GSH, GSH)], czv)

    iota16 = lax.iota(jnp.int32, 16)
    zf16 = jnp.zeros((16,), jnp.float32)
    zi16 = jnp.zeros((16,), jnp.int32)

    def pre_body(i, _):
        off = i * 16
        xc = xv[pl.ds(off, 16)]
        yc = yv[pl.ds(off, 16)]
        zc = zv[pl.ds(off, 16)]
        xn2v[pl.ds(off, 16)] = (xc * xc + yc * yc) + zc * zc
        xb[pl.ds(off, 16)] = _round_bf16(xc)
        yb[pl.ds(off, 16)] = _round_bf16(yc)
        zb[pl.ds(off, 16)] = _round_bf16(zc)
        return 0

    lax.fori_loop(0, N // 16, pre_body, 0)

    def _select_store(dref, U, g):
        Uv = zf16 + U

        def fil_body(i, cntv):
            d2v = dref[pl.ds(i * 16, 16)]
            m = d2v <= Uv
            pos = cntv + plsc.cumsum(m.astype(jnp.int32))
            plsc.store_scatter(candi, [pos], iota16 + i * 16, mask=m)
            return cntv + plsc.all_reduce_population_count(m)

        cntv = lax.fori_loop(0, N // 16, fil_body, zi16 - 1, unroll=8)

        cntv = cntv + 1
        cnt = jnp.max(cntv)
        nch = (cnt + 15) // 16

        def mg_body(j, carry):
            K0, I0, K1, I1 = carry
            valid = (iota16 + j * 16) < cntv
            CI = jnp.where(valid, candi[pl.ds(j * 16, 16)], 0)
            C = jnp.where(valid, plsc.load_gather(dref, [CI]), _INF)
            return _merge32(K0, I0, K1, I1, C, CI)

        K0, I0, K1, I1 = lax.fori_loop(
            0, nch, mg_body,
            (zf16 + _INF, zi16, zf16 + _INF, zi16))

        base = g * 96
        neigh_v[pl.ds(base, 16)] = plsc.load_gather(xv, [I0])
        neigh_v[pl.ds(base + 16, 16)] = plsc.load_gather(xv, [I1])
        neigh_v[pl.ds(base + 32, 16)] = plsc.load_gather(yv, [I0])
        neigh_v[pl.ds(base + 48, 16)] = plsc.load_gather(yv, [I1])
        neigh_v[pl.ds(base + 64, 16)] = plsc.load_gather(zv, [I0])
        neigh_v[pl.ds(base + 80, 16)] = plsc.load_gather(zv, [I1])

    @pl.loop(0, GSH)
    def _center(g):
        gv = zi16 + g
        cxs = plsc.load_gather(cxv, [gv])
        cys = plsc.load_gather(cyv, [gv])
        czs = plsc.load_gather(czv, [gv])
        cn2 = (cxs * cxs + cys * cys) + czs * czs
        cxb = _round_bf16(cxs)
        cyb = _round_bf16(cys)
        czb = _round_bf16(czs)

        def blk_body(blk, U):
            bmin = zf16 + _INF
            base = blk * (CPB * 16)
            for cc in range(CPB):
                off = base + cc * 16
                dot = (xb[pl.ds(off, 16)] * cxb
                       + yb[pl.ds(off, 16)] * cyb) + zb[pl.ds(off, 16)] * czb
                d2 = (cn2 + xn2v[pl.ds(off, 16)]) - (dot + dot)
                d2buf[pl.ds(off, 16)] = d2
                bmin = jnp.minimum(bmin, d2)
            return jnp.maximum(U, jnp.min(bmin))

        U = lax.fori_loop(0, NBLK, blk_body, -_INF)
        _select_store(d2buf, U, g)

    pltpu.sync_copy(neigh_v, out_hbm.at[b, pl.ds(q * GSH * 96, GSH * 96)])


def _knn_group_sc(x, y, z, cx, cy, cz):
    B, N = x.shape
    G = cx.shape[1]
    GSH = G // 4
    cp = pltpu.CompilerParams()
    if "needs_layout_passes" in pltpu.CompilerParams.__dataclass_fields__:
        cp = dataclasses.replace(cp, needs_layout_passes=False)
    kfn = pl.kernel(
        _knn_sc_body,
        out_type=jax.ShapeDtypeStruct((B, G * 96), jnp.float32),
        mesh=_sc_mesh(),
        scratch_types=[
            pltpu.VMEM((N,), jnp.float32),
            pltpu.VMEM((N,), jnp.float32),
            pltpu.VMEM((N,), jnp.float32),
            pltpu.VMEM((N,), jnp.float32),
            pltpu.VMEM((N,), jnp.float32),
            pltpu.VMEM((N,), jnp.float32),
            pltpu.VMEM((N,), jnp.float32),
            pltpu.VMEM((N,), jnp.float32),
            pltpu.VMEM((N,), jnp.int32),
            pltpu.VMEM((GSH,), jnp.float32),
            pltpu.VMEM((GSH,), jnp.float32),
            pltpu.VMEM((GSH,), jnp.float32),
            pltpu.VMEM((GSH * 96,), jnp.float32),
        ],
        compiler_params=cp,
    )
    return kfn(x, y, z, cx, cy, cz)


def kernel(xyz, pose):
    B, N, _ = xyz.shape
    R = pose[:, :, :3]
    t = pose[:, :, 3]
    xyz_t = jnp.einsum('bij,bnj->bni', R, xyz) + t[:, None, :]
    planes = xyz_t.transpose(2, 0, 1)
    x, y, z = planes[0], planes[1], planes[2]

    cx, cy, cz = _fps_centers(x, y, z)
    center = jnp.stack([cx, cy, cz], axis=-1)

    flat = _knn_group_sc(x, y, z, cx, cy, cz)
    neighborhood = flat.reshape(B, NUM_GROUP, 3, GROUP_SIZE).transpose(0, 1, 3, 2)
    return (neighborhood, center)

# --- scband reference (transcript-rebuilt; emitter-appended) ---
"""Pipeline reference for scband-group-46273977647728 (READ-ONLY COPY).

The authoritative reference and input builder live on the scoring server;
editing this copy changes nothing except your own understanding.
"""

import jax, jax.numpy as jnp
import numpy as np

NUM_GROUP = 256
GROUP_SIZE = 32


def setup_inputs(seed: int = 0) -> dict:
    key = jax.random.key(seed)
    k1, k2 = jax.random.split(key)
    xyz = jax.random.normal(k1, (8, 8192, 3), dtype=jnp.float32)
    pose = jax.random.normal(k2, (8, 3, 4), dtype=jnp.float32)
    return {"xyz": xyz, "pose": pose}


def se3_transform(pose, xyz):
    # pose: [B,3,4] = [R|t]; xyz: [B,N,3]
    R = pose[:, :, :3]
    t = pose[:, :, 3]
    return jnp.einsum('bij,bnj->bni', R, xyz) + t[:, None, :]


def fps(xyz, num_group):
    # furthest point sampling, faithful to pointnet2_utils.furthest_point_sample
    B, N, _ = xyz.shape
    idxs0 = jnp.zeros((B, num_group), dtype=jnp.int32)
    dists0 = jnp.full((B, N), 1e10, dtype=xyz.dtype)
    last0 = xyz[:, 0, :]

    def body(i, state):
        idxs, dists, last = state
        d = jnp.sum((xyz - last[:, None, :]) ** 2, axis=-1)
        dists = jnp.minimum(dists, d)
        nxt = jnp.argmax(dists, axis=-1).astype(jnp.int32)
        idxs = idxs.at[:, i].set(nxt)
        last = jnp.take_along_axis(xyz, nxt[:, None, None], axis=1)[:, 0, :]
        return (idxs, dists, last)

    idxs, _, _ = jax.lax.fori_loop(1, num_group, body, (idxs0, dists0, last0))
    return idxs


def reference(xyz, pose):
    B, N, _ = xyz.shape
    xyz = se3_transform(pose, xyz)
    # center = fps(xyz, num_group); gather_operation
    fps_idx = fps(xyz, NUM_GROUP)
    center = jnp.take_along_axis(xyz, fps_idx[:, :, None], axis=1)  # [B,G,3]
    # KNN(ref=xyz, query=center), k=group_size, indices into ref points
    d2 = (jnp.sum(center ** 2, axis=-1)[:, :, None]
          + jnp.sum(xyz ** 2, axis=-1)[:, None, :]
          - 2.0 * jnp.einsum('bgc,bnc->bgn', center, xyz))  # [B,G,N]
    _, idx = jax.lax.top_k(-d2, GROUP_SIZE)  # [B,G,M]
    # neighborhood = xyz.view(B*N, -1)[idx + idx_base]
    bidx = jnp.arange(B)[:, None, None]
    neighborhood = xyz[bidx, idx]  # [B,G,M,3]
    return (neighborhood, center)

if __name__ == "__main__":
    import jax
    _d = setup_inputs()
    print(jax.jit(kernel)(*tuple(_d.values())))

</pallas_src>

<mosaic_0001>
#map = affine_map<(d0, d1) -> (0, 0)>
module attributes {stable_mosaic.version = 14 : i64} {
  func.func @_knn_sc_body(%arg0: i32, %arg1: i32, %arg2: memref<8x8192xf32, #tpu.memory_space<hbm>>, %arg3: memref<8x8192xf32, #tpu.memory_space<hbm>>, %arg4: memref<8x8192xf32, #tpu.memory_space<hbm>>, %arg5: memref<8x256xf32, #tpu.memory_space<hbm>>, %arg6: memref<8x256xf32, #tpu.memory_space<hbm>>, %arg7: memref<8x256xf32, #tpu.memory_space<hbm>>, %arg8: memref<8x24576xf32, #tpu.memory_space<hbm>>, %arg9: memref<8192xf32, #tpu.memory_space<vmem>>, %arg10: memref<8192xf32, #tpu.memory_space<vmem>>, %arg11: memref<8192xf32, #tpu.memory_space<vmem>>, %arg12: memref<8192xf32, #tpu.memory_space<vmem>>, %arg13: memref<8192xf32, #tpu.memory_space<vmem>>, %arg14: memref<8192xf32, #tpu.memory_space<vmem>>, %arg15: memref<8192xf32, #tpu.memory_space<vmem>>, %arg16: memref<8192xf32, #tpu.memory_space<vmem>>, %arg17: memref<8192xi32, #tpu.memory_space<vmem>>, %arg18: memref<64xf32, #tpu.memory_space<vmem>>, %arg19: memref<64xf32, #tpu.memory_space<vmem>>, %arg20: memref<64xf32, #tpu.memory_space<vmem>>, %arg21: memref<6144xf32, #tpu.memory_space<vmem>>) attributes {dimension_semantics = [#tpu.dimension_semantics<core_parallel>, #tpu.dimension_semantics<subcore_parallel>], iteration_bounds = array<i64: 2, 16>, scalar_prefetch = 0 : i64, scratch_operands = 13 : i64, tpu.core_type = #tpu.core_type<sc_vector_subcore>, window_params = [{transform_indices = #map}, {transform_indices = #map}, {transform_indices = #map}, {transform_indices = #map}, {transform_indices = #map}, {transform_indices = #map}, {transform_indices = #map}]} {
    %mul3A = arith.constant 2 : i32
    %mul3A_0 = arith.muli %arg1, %mul3A : i32
    %add3A = arith.addi %mul3A_0, %arg0 : i32
    %jit3A = arith.constant 4 : i32
    %div3A = arith.divsi %add3A, %jit3A : i32
    %sign3A = arith.constant 0 : i32
    %sign3A_1 = arith.cmpi sgt, %add3A, %sign3A : i32
    %sign3A_2 = arith.extui %sign3A_1 : i1 to i32
    %sign3A_3 = arith.constant 0 : i32
    %sign3A_4 = arith.cmpi slt, %add3A, %sign3A_3 : i32
    %sign3A_5 = arith.extui %sign3A_4 : i1 to i32
    %sign3A_6 = arith.subi %sign3A_2, %sign3A_5 : i32
    %sign3A_7 = arith.constant 0 : i32
    %sign3A_8 = arith.cmpi sgt, %jit3A, %sign3A_7 : i32
    %sign3A_9 = arith.extui %sign3A_8 : i1 to i32
    %sign3A_10 = arith.constant 0 : i32
    %sign3A_11 = arith.cmpi slt, %jit3A, %sign3A_10 : i32
    %sign3A_12 = arith.extui %sign3A_11 : i1 to i32
    %sign3A_13 = arith.subi %sign3A_9, %sign3A_12 : i32
    %ne3A = arith.cmpi ne, %sign3A_6, %sign3A_13 : i32
    %rem3A = arith.remsi %add3A, %jit3A : i32
    %ne3A_14 = arith.constant 0 : i32
    %ne3A_15 = arith.cmpi ne, %rem3A, %ne3A_14 : i32
    %and3A = arith.andi %ne3A, %ne3A_15 : i1
    %sub3A = arith.constant 1 : i32
    %sub3A_16 = arith.subi %div3A, %sub3A : i32
    %select_n3A = arith.select %and3A, %sub3A_16, %div3A : i32
    %jit3A_17 = arith.constant 4 : i32
    %eq3A = arith.constant 0 : i32
    %eq3A_18 = arith.cmpi eq, %jit3A_17, %eq3A : i32
    %jit3A_19 = arith.constant 1 : i32
    %select_n3A_20 = arith.select %eq3A_18, %jit3A_19, %jit3A_17 : i32
    %rem3A_21 = arith.remsi %add3A, %select_n3A_20 : i32
    %ne3A_22 = arith.constant 0 : i32
    %ne3A_23 = arith.cmpi ne, %rem3A_21, %ne3A_22 : i32
    %lt3A = arith.constant 0 : i32
    %lt3A_24 = arith.cmpi slt, %rem3A_21, %lt3A : i32
    %lt3A_25 = arith.constant 0 : i32
    %lt3A_26 = arith.cmpi slt, %select_n3A_20, %lt3A_25 : i32
    %ne3A_27 = arith.xori %lt3A_24, %lt3A_26 : i1
    %and3A_28 = arith.andi %ne3A_27, %ne3A_23 : i1
    %add3A_29 = arith.addi %rem3A_21, %select_n3A_20 : i32
    %select_n3A_30 = arith.select %and3A_28, %add3A_29, %rem3A_21 : i32
    "tpu.region"() ({
      %run_scoped3A = tpu.sem_alloc : memref<!tpu.dma_semaphore, #tpu.memory_space<semaphore_mem>>
      %dma_start3A = arith.constant 0 : i32
      %dma_start3A_55 = tpu.memref_slice %arg2[%select_n3A, %dma_start3A] : memref<8x8192xf32, #tpu.memory_space<hbm>> -> memref<1x8192xf32, #tpu.memory_space<hbm>>
      %dma_start3A_56 = tpu.memref_squeeze %dma_start3A_55 : memref<1x8192xf32, #tpu.memory_space<hbm>> -> memref<8192xf32, #tpu.memory_space<hbm>>
      %dma_start3A_57 = arith.constant 0 : i32
      %dma_start3A_58 = tpu.memref_slice %arg2[%select_n3A, %dma_start3A_57] : memref<8x8192xf32, #tpu.memory_space<hbm>> -> memref<1x8192xf32, #tpu.memory_space<hbm>>
      %dma_start3A_59 = tpu.memref_squeeze %dma_start3A_58 : memref<1x8192xf32, #tpu.memory_space<hbm>> -> memref<8192xf32, #tpu.memory_space<hbm>>
      tpu.enqueue_dma source(%dma_start3A_59 : memref<8192xf32, #tpu.memory_space<hbm>>) target(%arg9 : memref<8192xf32, #tpu.memory_space<vmem>>) target_semaphore(%run_scoped3A : memref<!tpu.dma_semaphore, #tpu.memory_space<semaphore_mem>>)
      %dma_wait3A = arith.constant 0 : i32
      %dma_wait3A_60 = tpu.memref_slice %arg2[%select_n3A, %dma_wait3A] : memref<8x8192xf32, #tpu.memory_space<hbm>> -> memref<1x8192xf32, #tpu.memory_space<hbm>>
      %dma_wait3A_61 = tpu.memref_squeeze %dma_wait3A_60 : memref<1x8192xf32, #tpu.memory_space<hbm>> -> memref<8192xf32, #tpu.memory_space<hbm>>
      %dma_wait3A_62 = arith.constant 0 : i32
      %dma_wait3A_63 = tpu.memref_slice %arg2[%select_n3A, %dma_wait3A_62] : memref<8x8192xf32, #tpu.memory_space<hbm>> -> memref<1x8192xf32, #tpu.memory_space<hbm>>
      %dma_wait3A_64 = tpu.memref_squeeze %dma_wait3A_63 : memref<1x8192xf32, #tpu.memory_space<hbm>> -> memref<8192xf32, #tpu.memory_space<hbm>>
      tpu.wait_dma2 semaphore(%run_scoped3A : memref<!tpu.dma_semaphore, #tpu.memory_space<semaphore_mem>>) src(%dma_wait3A_64 : memref<8192xf32, #tpu.memory_space<hbm>>) dst(%arg9 : memref<8192xf32, #tpu.memory_space<vmem>>)
      tpu.yield
    }) : () -> ()
    "tpu.region"() ({
      %run_scoped3A = tpu.sem_alloc : memref<!tpu.dma_semaphore, #tpu.memory_space<semaphore_mem>>
      %dma_start3A = arith.constant 0 : i32
      %dma_start3A_55 = tpu.memref_slice %arg3[%select_n3A, %dma_start3A] : memref<8x8192xf32, #tpu.memory_space<hbm>> -> memref<1x8192xf32, #tpu.memory_space<hbm>>
      %dma_start3A_56 = tpu.memref_squeeze %dma_start3A_55 : memref<1x8192xf32, #tpu.memory_space<hbm>> -> memref<8192xf32, #tpu.memory_space<hbm>>
      %dma_start3A_57 = arith.constant 0 : i32
      %dma_start3A_58 = tpu.memref_slice %arg3[%select_n3A, %dma_start3A_57] : memref<8x8192xf32, #tpu.memory_space<hbm>> -> memref<1x8192xf32, #tpu.memory_space<hbm>>
      %dma_start3A_59 = tpu.memref_squeeze %dma_start3A_58 : memref<1x8192xf32, #tpu.memory_space<hbm>> -> memref<8192xf32, #tpu.memory_space<hbm>>
      tpu.enqueue_dma source(%dma_start3A_59 : memref<8192xf32, #tpu.memory_space<hbm>>) target(%arg10 : memref<8192xf32, #tpu.memory_space<vmem>>) target_semaphore(%run_scoped3A : memref<!tpu.dma_semaphore, #tpu.memory_space<semaphore_mem>>)
      %dma_wait3A = arith.constant 0 : i32
      %dma_wait3A_60 = tpu.memref_slice %arg3[%select_n3A, %dma_wait3A] : memref<8x8192xf32, #tpu.memory_space<hbm>> -> memref<1x8192xf32, #tpu.memory_space<hbm>>
      %dma_wait3A_61 = tpu.memref_squeeze %dma_wait3A_60 : memref<1x8192xf32, #tpu.memory_space<hbm>> -> memref<8192xf32, #tpu.memory_space<hbm>>
      %dma_wait3A_62 = arith.constant 0 : i32
      %dma_wait3A_63 = tpu.memref_slice %arg3[%select_n3A, %dma_wait3A_62] : memref<8x8192xf32, #tpu.memory_space<hbm>> -> memref<1x8192xf32, #tpu.memory_space<hbm>>
      %dma_wait3A_64 = tpu.memref_squeeze %dma_wait3A_63 : memref<1x8192xf32, #tpu.memory_space<hbm>> -> memref<8192xf32, #tpu.memory_space<hbm>>
      tpu.wait_dma2 semaphore(%run_scoped3A : memref<!tpu.dma_semaphore, #tpu.memory_space<semaphore_mem>>) src(%dma_wait3A_64 : memref<8192xf32, #tpu.memory_space<hbm>>) dst(%arg10 : memref<8192xf32, #tpu.memory_space<vmem>>)
      tpu.yield
    }) : () -> ()
    "tpu.region"() ({
      %run_scoped3A = tpu.sem_alloc : memref<!tpu.dma_semaphore, #tpu.memory_space<semaphore_mem>>
      %dma_start3A = arith.constant 0 : i32
      %dma_start3A_55 = tpu.memref_slice %arg4[%select_n3A, %dma_start3A] : memref<8x8192xf32, #tpu.memory_space<hbm>> -> memref<1x8192xf32, #tpu.memory_space<hbm>>
      %dma_start3A_56 = tpu.memref_squeeze %dma_start3A_55 : memref<1x8192xf32, #tpu.memory_space<hbm>> -> memref<8192xf32, #tpu.memory_space<hbm>>
      %dma_start3A_57 = arith.constant 0 : i32
      %dma_start3A_58 = tpu.memref_slice %arg4[%select_n3A, %dma_start3A_57] : memref<8x8192xf32, #tpu.memory_space<hbm>> -> memref<1x8192xf32, #tpu.memory_space<hbm>>
      %dma_start3A_59 = tpu.memref_squeeze %dma_start3A_58 : memref<1x8192xf32, #tpu.memory_space<hbm>> -> memref<8192xf32, #tpu.memory_space<hbm>>
      tpu.enqueue_dma source(%dma_start3A_59 : memref<8192xf32, #tpu.memory_space<hbm>>) target(%arg11 : memref<8192xf32, #tpu.memory_space<vmem>>) target_semaphore(%run_scoped3A : memref<!tpu.dma_semaphore, #tpu.memory_space<semaphore_mem>>)
      %dma_wait3A = arith.constant 0 : i32
      %dma_wait3A_60 = tpu.memref_slice %arg4[%select_n3A, %dma_wait3A] : memref<8x8192xf32, #tpu.memory_space<hbm>> -> memref<1x8192xf32, #tpu.memory_space<hbm>>
      %dma_wait3A_61 = tpu.memref_squeeze %dma_wait3A_60 : memref<1x8192xf32, #tpu.memory_space<hbm>> -> memref<8192xf32, #tpu.memory_space<hbm>>
      %dma_wait3A_62 = arith.constant 0 : i32
      %dma_wait3A_63 = tpu.memref_slice %arg4[%select_n3A, %dma_wait3A_62] : memref<8x8192xf32, #tpu.memory_space<hbm>> -> memref<1x8192xf32, #tpu.memory_space<hbm>>
      %dma_wait3A_64 = tpu.memref_squeeze %dma_wait3A_63 : memref<1x8192xf32, #tpu.memory_space<hbm>> -> memref<8192xf32, #tpu.memory_space<hbm>>
      tpu.wait_dma2 semaphore(%run_scoped3A : memref<!tpu.dma_semaphore, #tpu.memory_space<semaphore_mem>>) src(%dma_wait3A_64 : memref<8192xf32, #tpu.memory_space<hbm>>) dst(%arg11 : memref<8192xf32, #tpu.memory_space<vmem>>)
      tpu.yield
    }) : () -> ()
    %mul3A_31 = arith.constant 64 : i32
    %mul3A_32 = arith.muli %select_n3A_30, %mul3A_31 : i32
    "tpu.region"() ({
      %run_scoped3A = tpu.sem_alloc : memref<!tpu.dma_semaphore, #tpu.memory_space<semaphore_mem>>
      %dma_start3A = tpu.memref_slice %arg5[%select_n3A, %mul3A_32] : memref<8x256xf32, #tpu.memory_space<hbm>> -> memref<1x64xf32, #tpu.memory_space<hbm>>
      %dma_start3A_55 = tpu.memref_squeeze %dma_start3A : memref<1x64xf32, #tpu.memory_space<hbm>> -> memref<64xf32, #tpu.memory_space<hbm>>
      %dma_start3A_56 = tpu.memref_slice %arg5[%select_n3A, %mul3A_32] : memref<8x256xf32, #tpu.memory_space<hbm>> -> memref<1x64xf32, #tpu.memory_space<hbm>>
      %dma_start3A_57 = tpu.memref_squeeze %dma_start3A_56 : memref<1x64xf32, #tpu.memory_space<hbm>> -> memref<64xf32, #tpu.memory_space<hbm>>
      tpu.enqueue_dma source(%dma_start3A_57 : memref<64xf32, #tpu.memory_space<hbm>>) target(%arg18 : memref<64xf32, #tpu.memory_space<vmem>>) target_semaphore(%run_scoped3A : memref<!tpu.dma_semaphore, #tpu.memory_space<semaphore_mem>>)
      %dma_wait3A = tpu.memref_slice %arg5[%select_n3A, %mul3A_32] : memref<8x256xf32, #tpu.memory_space<hbm>> -> memref<1x64xf32, #tpu.memory_space<hbm>>
      %dma_wait3A_58 = tpu.memref_squeeze %dma_wait3A : memref<1x64xf32, #tpu.memory_space<hbm>> -> memref<64xf32, #tpu.memory_space<hbm>>
      %dma_wait3A_59 = tpu.memref_slice %arg5[%select_n3A, %mul3A_32] : memref<8x256xf32, #tpu.memory_space<hbm>> -> memref<1x64xf32, #tpu.memory_space<hbm>>
      %dma_wait3A_60 = tpu.memref_squeeze %dma_wait3A_59 : memref<1x64xf32, #tpu.memory_space<hbm>> -> memref<64xf32, #tpu.memory_space<hbm>>
      tpu.wait_dma2 semaphore(%run_scoped3A : memref<!tpu.dma_semaphore, #tpu.memory_space<semaphore_mem>>) src(%dma_wait3A_60 : memref<64xf32, #tpu.memory_space<hbm>>) dst(%arg18 : memref<64xf32, #tpu.memory_space<vmem>>)
      tpu.yield
    }) : () -> ()
    %mul3A_33 = arith.constant 64 : i32
    %mul3A_34 = arith.muli %select_n3A_30, %mul3A_33 : i32
    "tpu.region"() ({
      %run_scoped3A = tpu.sem_alloc : memref<!tpu.dma_semaphore, #tpu.memory_space<semaphore_mem>>
      %dma_start3A = tpu.memref_slice %arg6[%select_n3A, %mul3A_34] : memref<8x256xf32, #tpu.memory_space<hbm>> -> memref<1x64xf32, #tpu.memory_space<hbm>>
      %dma_start3A_55 = tpu.memref_squeeze %dma_start3A : memref<1x64xf32, #tpu.memory_space<hbm>> -> memref<64xf32, #tpu.memory_space<hbm>>
      %dma_start3A_56 = tpu.memref_slice %arg6[%select_n3A, %mul3A_34] : memref<8x256xf32, #tpu.memory_space<hbm>> -> memref<1x64xf32, #tpu.memory_space<hbm>>
      %dma_start3A_57 = tpu.memref_squeeze %dma_start3A_56 : memref<1x64xf32, #tpu.memory_space<hbm>> -> memref<64xf32, #tpu.memory_space<hbm>>
      tpu.enqueue_dma source(%dma_start3A_57 : memref<64xf32, #tpu.memory_space<hbm>>) target(%arg19 : memref<64xf32, #tpu.memory_space<vmem>>) target_semaphore(%run_scoped3A : memref<!tpu.dma_semaphore, #tpu.memory_space<semaphore_mem>>)
      %dma_wait3A = tpu.memref_slice %arg6[%select_n3A, %mul3A_34] : memref<8x256xf32, #tpu.memory_space<hbm>> -> memref<1x64xf32, #tpu.memory_space<hbm>>
      %dma_wait3A_58 = tpu.memref_squeeze %dma_wait3A : memref<1x64xf32, #tpu.memory_space<hbm>> -> memref<64xf32, #tpu.memory_space<hbm>>
      %dma_wait3A_59 = tpu.memref_slice %arg6[%select_n3A, %mul3A_34] : memref<8x256xf32, #tpu.memory_space<hbm>> -> memref<1x64xf32, #tpu.memory_space<hbm>>
      %dma_wait3A_60 = tpu.memref_squeeze %dma_wait3A_59 : memref<1x64xf32, #tpu.memory_space<hbm>> -> memref<64xf32, #tpu.memory_space<hbm>>
      tpu.wait_dma2 semaphore(%run_scoped3A : memref<!tpu.dma_semaphore, #tpu.memory_space<semaphore_mem>>) src(%dma_wait3A_60 : memref<64xf32, #tpu.memory_space<hbm>>) dst(%arg19 : memref<64xf32, #tpu.memory_space<vmem>>)
      tpu.yield
    }) : () -> ()
    %mul3A_35 = arith.constant 64 : i32
    %mul3A_36 = arith.muli %select_n3A_30, %mul3A_35 : i32
    "tpu.region"() ({
      %run_scoped3A = tpu.sem_alloc : memref<!tpu.dma_semaphore, #tpu.memory_space<semaphore_mem>>
      %dma_start3A = tpu.memref_slice %arg7[%select_n3A, %mul3A_36] : memref<8x256xf32, #tpu.memory_space<hbm>> -> memref<1x64xf32, #tpu.memory_space<hbm>>
      %dma_start3A_55 = tpu.memref_squeeze %dma_start3A : memref<1x64xf32, #tpu.memory_space<hbm>> -> memref<64xf32, #tpu.memory_space<hbm>>
      %dma_start3A_56 = tpu.memref_slice %arg7[%select_n3A, %mul3A_36] : memref<8x256xf32, #tpu.memory_space<hbm>> -> memref<1x64xf32, #tpu.memory_space<hbm>>
      %dma_start3A_57 = tpu.memref_squeeze %dma_start3A_56 : memref<1x64xf32, #tpu.memory_space<hbm>> -> memref<64xf32, #tpu.memory_space<hbm>>
      tpu.enqueue_dma source(%dma_start3A_57 : memref<64xf32, #tpu.memory_space<hbm>>) target(%arg20 : memref<64xf32, #tpu.memory_space<vmem>>) target_semaphore(%run_scoped3A : memref<!tpu.dma_semaphore, #tpu.memory_space<semaphore_mem>>)
      %dma_wait3A = tpu.memref_slice %arg7[%select_n3A, %mul3A_36] : memref<8x256xf32, #tpu.memory_space<hbm>> -> memref<1x64xf32, #tpu.memory_space<hbm>>
      %dma_wait3A_58 = tpu.memref_squeeze %dma_wait3A : memref<1x64xf32, #tpu.memory_space<hbm>> -> memref<64xf32, #tpu.memory_space<hbm>>
      %dma_wait3A_59 = tpu.memref_slice %arg7[%select_n3A, %mul3A_36] : memref<8x256xf32, #tpu.memory_space<hbm>> -> memref<1x64xf32, #tpu.memory_space<hbm>>
      %dma_wait3A_60 = tpu.memref_squeeze %dma_wait3A_59 : memref<1x64xf32, #tpu.memory_space<hbm>> -> memref<64xf32, #tpu.memory_space<hbm>>
      tpu.wait_dma2 semaphore(%run_scoped3A : memref<!tpu.dma_semaphore, #tpu.memory_space<semaphore_mem>>) src(%dma_wait3A_60 : memref<64xf32, #tpu.memory_space<hbm>>) dst(%arg20 : memref<64xf32, #tpu.memory_space<vmem>>)
      tpu.yield
    }) : () -> ()
    %iota3A = tpu.iota {dimensions = array<i32: 0>} : vector<16xi32>
    %broadcast_in_dim3A = arith.constant 0.000000e+00 : f32
    %broadcast_in_dim3A_37 = vector.broadcast %broadcast_in_dim3A : f32 to vector<16xf32>
    %broadcast_in_dim3A_38 = arith.constant 0 : i32
    %broadcast_in_dim3A_39 = vector.broadcast %broadcast_in_dim3A_38 : i32 to vector<16xi32>
    %scan3A = arith.constant 0 : i32
    %scan3A_40 = arith.constant 0 : i32
    %scan3A_41 = arith.constant 512 : i32
    %scan3A_42 = arith.addi %scan3A_40, %scan3A_41 : i32
    %scan3A_43 = arith.constant 1 : i32
    %scan3A_44 = scf.for %scan3A_55 = %scan3A_40 to %scan3A_42 step %scan3A_43 iter_args(%scan3A_56 = %scan3A) -> (i32)  : i32 {
      %mul3A_57 = arith.constant 16 : i32
      %mul3A_58 = arith.muli %scan3A_55, %mul3A_57 : i32
      %get3A = arith.index_cast %mul3A_58 : i32 to index
      %get3A_59 = tpu.vector_load %arg9[%get3A] {strides = array<i32>} : memref<8192xf32, #tpu.memory_space<vmem>>, vector<16xf32>,
      %get3A_60 = arith.index_cast %mul3A_58 : i32 to index
      %get3A_61 = tpu.vector_load %arg10[%get3A_60] {strides = array<i32>} : memref<8192xf32, #tpu.memory_space<vmem>>, vector<16xf32>,
      %get3A_62 = arith.index_cast %mul3A_58 : i32 to index
      %get3A_63 = tpu.vector_load %arg11[%get3A_62] {strides = array<i32>} : memref<8192xf32, #tpu.memory_space<vmem>>, vector<16xf32>,
      %mul3A_64 = arith.mulf %get3A_59, %get3A_59 : vector<16xf32>
      %mul3A_65 = arith.mulf %get3A_61, %get3A_61 : vector<16xf32>
      %add3A_66 = arith.addf %mul3A_64, %mul3A_65 : vector<16xf32>
      %mul3A_67 = arith.mulf %get3A_63, %get3A_63 : vector<16xf32>
      %add3A_68 = arith.addf %add3A_66, %mul3A_67 : vector<16xf32>
      %swap3A = arith.index_cast %mul3A_58 : i32 to index
      %swap3A_69 = tpu.vector_load %arg15[%swap3A] {strides = array<i32>} : memref<8192xf32, #tpu.memory_space<vmem>>, vector<16xf32>,
      tpu.vector_store %arg15[%swap3A], %add3A_68 {strides = array<i32>} : memref<8192xf32, #tpu.memory_space<vmem>>, vector<16xf32>,
      %bitcast3A = vector.bitcast %get3A_59 : vector<16xf32> to vector<16xi32>
      %add3A_70 = arith.constant 32767 : i32
      %add3A_71 = vector.broadcast %add3A_70 : i32 to vector<16xi32>
      %add3A_72 = arith.addi %bitcast3A, %add3A_71 : vector<16xi32>
      %shift_right_logical3A = arith.constant 16 : i32
      %shift_right_logical3A_73 = vector.broadcast %shift_right_logical3A : i32 to vector<16xi32>
      %shift_right_logical3A_74 = arith.shrui %bitcast3A, %shift_right_logical3A_73 : vector<16xi32>
      %and3A_75 = arith.constant 1 : i32
      %and3A_76 = vector.broadcast %and3A_75 : i32 to vector<16xi32>
      %and3A_77 = arith.andi %shift_right_logical3A_74, %and3A_76 : vector<16xi32>
      %add3A_78 = arith.addi %add3A_72, %and3A_77 : vector<16xi32>
      %and3A_79 = arith.constant -65536 : i32
      %and3A_80 = vector.broadcast %and3A_79 : i32 to vector<16xi32>
      %and3A_81 = arith.andi %add3A_78, %and3A_80 : vector<16xi32>
      %bitcast3A_82 = vector.bitcast %and3A_81 : vector<16xi32> to vector<16xf32>
      %swap3A_83 = arith.index_cast %mul3A_58 : i32 to index
      %swap3A_84 = tpu.vector_load %arg12[%swap3A_83] {strides = array<i32>} : memref<8192xf32, #tpu.memory_space<vmem>>, vector<16xf32>,
      tpu.vector_store %arg12[%swap3A_83], %bitcast3A_82 {strides = array<i32>} : memref<8192xf32, #tpu.memory_space<vmem>>, vector<16xf32>,
      %bitcast3A_85 = vector.bitcast %get3A_61 : vector<16xf32> to vector<16xi32>
      %add3A_86 = arith.constant 32767 : i32
      %add3A_87 = vector.broadcast %add3A_86 : i32 to vector<16xi32>
      %add3A_88 = arith.addi %bitcast3A_85, %add3A_87 : vector<16xi32>
      %shift_right_logical3A_89 = arith.constant 16 : i32
      %shift_right_logical3A_90 = vector.broadcast %shift_right_logical3A_89 : i32 to vector<16xi32>
      %shift_right_logical3A_91 = arith.shrui %bitcast3A_85, %shift_right_logical3A_90 : vector<16xi32>
      %and3A_92 = arith.constant 1 : i32
      %and3A_93 = vector.broadcast %and3A_92 : i32 to vector<16xi32>
      %and3A_94 = arith.andi %shift_right_logical3A_91, %and3A_93 : vector<16xi32>
      %add3A_95 = arith.addi %add3A_88, %and3A_94 : vector<16xi32>
      %and3A_96 = arith.constant -65536 : i32
      %and3A_97 = vector.broadcast %and3A_96 : i32 to vector<16xi32>
      %and3A_98 = arith.andi %add3A_95, %and3A_97 : vector<16xi32>
      %bitcast3A_99 = vector.bitcast %and3A_98 : vector<16xi32> to vector<16xf32>
      %swap3A_100 = arith.index_cast %mul3A_58 : i32 to index
      %swap3A_101 = tpu.vector_load %arg13[%swap3A_100] {strides = array<i32>} : memref<8192xf32, #tpu.memory_space<vmem>>, vector<16xf32>,
      tpu.vector_store %arg13[%swap3A_100], %bitcast3A_99 {strides = array<i32>} : memref<8192xf32, #tpu.memory_space<vmem>>, vector<16xf32>,
      %bitcast3A_102 = vector.bitcast %get3A_63 : vector<16xf32> to vector<16xi32>
      %add3A_103 = arith.constant 32767 : i32
      %add3A_104 = vector.broadcast %add3A_103 : i32 to vector<16xi32>
      %add3A_105 = arith.addi %bitcast3A_102, %add3A_104 : vector<16xi32>
      %shift_right_logical3A_106 = arith.constant 16 : i32
      %shift_right_logical3A_107 = vector.broadcast %shift_right_logical3A_106 : i32 to vector<16xi32>
      %shift_right_logical3A_108 = arith.shrui %bitcast3A_102, %shift_right_logical3A_107 : vector<16xi32>
      %and3A_109 = arith.constant 1 : i32
      %and3A_110 = vector.broadcast %and3A_109 : i32 to vector<16xi32>
      %and3A_111 = arith.andi %shift_right_logical3A_108, %and3A_110 : vector<16xi32>
      %add3A_112 = arith.addi %add3A_105, %and3A_111 : vector<16xi32>
      %and3A_113 = arith.constant -65536 : i32
      %and3A_114 = vector.broadcast %and3A_113 : i32 to vector<16xi32>
      %and3A_115 = arith.andi %add3A_112, %and3A_114 : vector<16xi32>
      %bitcast3A_116 = vector.bitcast %and3A_115 : vector<16xi32> to vector<16xf32>
      %swap3A_117 = arith.index_cast %mul3A_58 : i32 to index
      %swap3A_118 = tpu.vector_load %arg14[%swap3A_117] {strides = array<i32>} : memref<8192xf32, #tpu.memory_space<vmem>>, vector<16xf32>,
      tpu.vector_store %arg14[%swap3A_117], %bitcast3A_116 {strides = array<i32>} : memref<8192xf32, #tpu.memory_space<vmem>>, vector<16xf32>,
      %scan3A_119 = arith.constant 0 : i32
      scf.yield %scan3A_119 : i32
    }
    %scan3A_45 = arith.constant 512 : i32
    %scan3A_46 = arith.constant 0 : i32
    %scan3A_47 = arith.constant 64 : i32
    %scan3A_48 = arith.addi %scan3A_46, %scan3A_47 : i32
    %scan3A_49 = arith.constant 1 : i32
    scf.for %scan3A_55 = %scan3A_46 to %scan3A_48 step %scan3A_49  : i32 {
      %mul3A_56 = arith.constant 1 : i32
      %mul3A_57 = arith.muli %scan3A_55, %mul3A_56 : i32
      %add3A_58 = arith.constant 0 : i32
      %add3A_59 = arith.addi %add3A_58, %mul3A_57 : i32
      %add3A_60 = vector.broadcast %add3A_59 : i32 to vector<16xi32>
      %add3A_61 = arith.addi %broadcast_in_dim3A_39, %add3A_60 : vector<16xi32>
      %gather3A = tpu.vector_load_idx %arg18[%add3A_61] : memref<64xf32, #tpu.memory_space<vmem>>[vector<16xi32>], vector<16xf32>,
      %gather3A_62 = tpu.vector_load_idx %arg19[%add3A_61] : memref<64xf32, #tpu.memory_space<vmem>>[vector<16xi32>], vector<16xf32>,
      %gather3A_63 = tpu.vector_load_idx %arg20[%add3A_61] : memref<64xf32, #tpu.memory_space<vmem>>[vector<16xi32>], vector<16xf32>,
      %mul3A_64 = arith.mulf %gather3A, %gather3A : vector<16xf32>
      %mul3A_65 = arith.mulf %gather3A_62, %gather3A_62 : vector<16xf32>
      %add3A_66 = arith.addf %mul3A_64, %mul3A_65 : vector<16xf32>
      %mul3A_67 = arith.mulf %gather3A_63, %gather3A_63 : vector<16xf32>
      %add3A_68 = arith.addf %add3A_66, %mul3A_67 : vector<16xf32>
      %bitcast3A = vector.bitcast %gather3A : vector<16xf32> to vector<16xi32>
      %add3A_69 = arith.constant 32767 : i32
      %add3A_70 = vector.broadcast %add3A_69 : i32 to vector<16xi32>
      %add3A_71 = arith.addi %bitcast3A, %add3A_70 : vector<16xi32>
      %shift_right_logical3A = arith.constant 16 : i32
      %shift_right_logical3A_72 = vector.broadcast %shift_right_logical3A : i32 to vector<16xi32>
      %shift_right_logical3A_73 = arith.shrui %bitcast3A, %shift_right_logical3A_72 : vector<16xi32>
      %and3A_74 = arith.constant 1 : i32
      %and3A_75 = vector.broadcast %and3A_74 : i32 to vector<16xi32>
      %and3A_76 = arith.andi %shift_right_logical3A_73, %and3A_75 : vector<16xi32>
      %add3A_77 = arith.addi %add3A_71, %and3A_76 : vector<16xi32>
      %and3A_78 = arith.constant -65536 : i32
      %and3A_79 = vector.broadcast %and3A_78 : i32 to vector<16xi32>
      %and3A_80 = arith.andi %add3A_77, %and3A_79 : vector<16xi32>
      %bitcast3A_81 = vector.bitcast %and3A_80 : vector<16xi32> to vector<16xf32>
      %bitcast3A_82 = vector.bitcast %gather3A_62 : vector<16xf32> to vector<16xi32>
      %add3A_83 = arith.constant 32767 : i32
      %add3A_84 = vector.broadcast %add3A_83 : i32 to vector<16xi32>
      %add3A_85 = arith.addi %bitcast3A_82, %add3A_84 : vector<16xi32>
      %shift_right_logical3A_86 = arith.constant 16 : i32
      %shift_right_logical3A_87 = vector.broadcast %shift_right_logical3A_86 : i32 to vector<16xi32>
      %shift_right_logical3A_88 = arith.shrui %bitcast3A_82, %shift_right_logical3A_87 : vector<16xi32>
      %and3A_89 = arith.constant 1 : i32
      %and3A_90 = vector.broadcast %and3A_89 : i32 to vector<16xi32>
      %and3A_91 = arith.andi %shift_right_logical3A_88, %and3A_90 : vector<16xi32>
      %add3A_92 = arith.addi %add3A_85, %and3A_91 : vector<16xi32>
      %and3A_93 = arith.constant -65536 : i32
      %and3A_94 = vector.broadcast %and3A_93 : i32 to vector<16xi32>
      %and3A_95 = arith.andi %add3A_92, %and3A_94 : vector<16xi32>
      %bitcast3A_96 = vector.bitcast %and3A_95 : vector<16xi32> to vector<16xf32>
      %bitcast3A_97 = vector.bitcast %gather3A_63 : vector<16xf32> to vector<16xi32>
      %add3A_98 = arith.constant 32767 : i32
      %add3A_99 = vector.broadcast %add3A_98 : i32 to vector<16xi32>
      %add3A_100 = arith.addi %bitcast3A_97, %add3A_99 : vector<16xi32>
      %shift_right_logical3A_101 = arith.constant 16 : i32
      %shift_right_logical3A_102 = vector.broadcast %shift_right_logical3A_101 : i32 to vector<16xi32>
      %shift_right_logical3A_103 = arith.shrui %bitcast3A_97, %shift_right_logical3A_102 : vector<16xi32>
      %and3A_104 = arith.constant 1 : i32
      %and3A_105 = vector.broadcast %and3A_104 : i32 to vector<16xi32>
      %and3A_106 = arith.andi %shift_right_logical3A_103, %and3A_105 : vector<16xi32>
      %add3A_107 = arith.addi %add3A_100, %and3A_106 : vector<16xi32>
      %and3A_108 = arith.constant -65536 : i32
      %and3A_109 = vector.broadcast %and3A_108 : i32 to vector<16xi32>
      %and3A_110 = arith.andi %add3A_107, %and3A_109 : vector<16xi32>
      %bitcast3A_111 = vector.bitcast %and3A_110 : vector<16xi32> to vector<16xf32>
      %scan3A_112 = arith.constant 0xFF800000 : f32
      %scan3A_113 = arith.constant 0 : i32
      %scan3A_114 = arith.constant 32 : i32
      %scan3A_115 = arith.addi %scan3A_113, %scan3A_114 : i32
      %scan3A_116 = arith.constant 1 : i32
      %scan3A_117 = scf.for %scan3A_211 = %scan3A_113 to %scan3A_115 step %scan3A_116 iter_args(%scan3A_212 = %scan3A_112) -> (f32)  : i32 {
        %add3A_213 = arith.constant 0x7F800000 : f32
        %add3A_214 = vector.broadcast %add3A_213 : f32 to vector<16xf32>
        %add3A_215 = arith.addf %broadcast_in_dim3A_37, %add3A_214 : vector<16xf32>
        %mul3A_216 = arith.constant 256 : i32
        %mul3A_217 = arith.muli %scan3A_211, %mul3A_216 : i32
        %add3A_218 = arith.constant 0 : i32
        %add3A_219 = arith.addi %mul3A_217, %add3A_218 : i32
        %get3A = arith.index_cast %add3A_219 : i32 to index
        %get3A_220 = tpu.vector_load %arg12[%get3A] {strides = array<i32>} : memref<8192xf32, #tpu.memory_space<vmem>>, vector<16xf32>,
        %mul3A_221 = arith.mulf %get3A_220, %bitcast3A_81 : vector<16xf32>
        %get3A_222 = arith.index_cast %add3A_219 : i32 to index
        %get3A_223 = tpu.vector_load %arg13[%get3A_222] {strides = array<i32>} : memref<8192xf32, #tpu.memory_space<vmem>>, vector<16xf32>,
        %mul3A_224 = arith.mulf %get3A_223, %bitcast3A_96 : vector<16xf32>
        %add3A_225 = arith.addf %mul3A_221, %mul3A_224 : vector<16xf32>
        %get3A_226 = arith.index_cast %add3A_219 : i32 to index
        %get3A_227 = tpu.vector_load %arg14[%get3A_226] {strides = array<i32>} : memref<8192xf32, #tpu.memory_space<vmem>>, vector<16xf32>,
        %mul3A_228 = arith.mulf %get3A_227, %bitcast3A_111 : vector<16xf32>
        %add3A_229 = arith.addf %add3A_225, %mul3A_228 : vector<16xf32>
        %get3A_230 = arith.index_cast %add3A_219 : i32 to index
        %get3A_231 = tpu.vector_load %arg15[%get3A_230] {strides = array<i32>} : memref<8192xf32, #tpu.memory_space<vmem>>, vector<16xf32>,
        %add3A_232 = arith.addf %add3A_68, %get3A_231 : vector<16xf32>
        %add3A_233 = arith.addf %add3A_229, %add3A_229 : vector<16xf32>
        %sub3A_234 = arith.subf %add3A_232, %add3A_233 : vector<16xf32>
        %swap3A_235 = arith.index_cast %add3A_219 : i32 to index
        %swap3A_236 = tpu.vector_load %arg16[%swap3A_235] {strides = array<i32>} : memref<8192xf32, #tpu.memory_space<vmem>>, vector<16xf32>,
        tpu.vector_store %arg16[%swap3A_235], %sub3A_234 {strides = array<i32>} : memref<8192xf32, #tpu.memory_space<vmem>>, vector<16xf32>,
        %min3A = arith.minimumf %add3A_215, %sub3A_234 : vector<16xf32>
        %add3A_237 = arith.constant 16 : i32
        %add3A_238 = arith.addi %mul3A_217, %add3A_237 : i32
        %get3A_239 = arith.index_cast %add3A_238 : i32 to index
        %get3A_240 = tpu.vector_load %arg12[%get3A_239] {strides = array<i32>} : memref<8192xf32, #tpu.memory_space<vmem>>, vector<16xf32>,
        %mul3A_241 = arith.mulf %get3A_240, %bitcast3A_81 : vector<16xf32>
        %get3A_242 = arith.index_cast %add3A_238 : i32 to index
        %get3A_243 = tpu.vector_load %arg13[%get3A_242] {strides = array<i32>} : memref<8192xf32, #tpu.memory_space<vmem>>, vector<16xf32>,
        %mul3A_244 = arith.mulf %get3A_243, %bitcast3A_96 : vector<16xf32>
        %add3A_245 = arith.addf %mul3A_241, %mul3A_244 : vector<16xf32>
        %get3A_246 = arith.index_cast %add3A_238 : i32 to index
        %get3A_247 = tpu.vector_load %arg14[%get3A_246] {strides = array<i32>} : memref<8192xf32, #tpu.memory_space<vmem>>, vector<16xf32>,
        %mul3A_248 = arith.mulf %get3A_247, %bitcast3A_111 : vector<16xf32>
        %add3A_249 = arith.addf %add3A_245, %mul3A_248 : vector<16xf32>
        %get3A_250 = arith.index_cast %add3A_238 : i32 to index
        %get3A_251 = tpu.vector_load %arg15[%get3A_250] {strides = array<i32>} : memref<8192xf32, #tpu.memory_space<vmem>>, vector<16xf32>,
        %add3A_252 = arith.addf %add3A_68, %get3A_251 : vector<16xf32>
        %add3A_253 = arith.addf %add3A_249, %add3A_249 : vector<16xf32>
        %sub3A_254 = arith.subf %add3A_252, %add3A_253 : vector<16xf32>
        %swap3A_255 = arith.index_cast %add3A_238 : i32 to index
        %swap3A_256 = tpu.vector_load %arg16[%swap3A_255] {strides = array<i32>} : memref<8192xf32, #tpu.memory_space<vmem>>, vector<16xf32>,
        tpu.vector_store %arg16[%swap3A_255], %sub3A_254 {strides = array<i32>} : memref<8192xf32, #tpu.memory_space<vmem>>, vector<16xf32>,
        %min3A_257 = arith.minimumf %min3A, %sub3A_254 : vector<16xf32>
        %add3A_258 = arith.constant 32 : i32
        %add3A_259 = arith.addi %mul3A_217, %add3A_258 : i32
        %get3A_260 = arith.index_cast %add3A_259 : i32 to index
        %get3A_261 = tpu.vector_load %arg12[%get3A_260] {strides = array<i32>} : memref<8192xf32, #tpu.memory_space<vmem>>, vector<16xf32>,
        %mul3A_262 = arith.mulf %get3A_261, %bitcast3A_81 : vector<16xf32>
        %get3A_263 = arith.index_cast %add3A_259 : i32 to index
        %get3A_264 = tpu.vector_load %arg13[%get3A_263] {strides = array<i32>} : memref<8192xf32, #tpu.memory_space<vmem>>, vector<16xf32>,
        %mul3A_265 = arith.mulf %get3A_264, %bitcast3A_96 : vector<16xf32>
        %add3A_266 = arith.addf %mul3A_262, %mul3A_265 : vector<16xf32>
        %get3A_267 = arith.index_cast %add3A_259 : i32 to index
        %get3A_268 = tpu.vector_load %arg14[%get3A_267] {strides = array<i32>} : memref<8192xf32, #tpu.memory_space<vmem>>, vector<16xf32>,
        %mul3A_269 = arith.mulf %get3A_268, %bitcast3A_111 : vector<16xf32>
        %add3A_270 = arith.addf %add3A_266, %mul3A_269 : vector<16xf32>
        %get3A_271 = arith.index_cast %add3A_259 : i32 to index
        %get3A_272 = tpu.vector_load %arg15[%get3A_271] {strides = array<i32>} : memref<8192xf32, #tpu.memory_space<vmem>>, vector<16xf32>,
        %add3A_273 = arith.addf %add3A_68, %get3A_272 : vector<16xf32>
        %add3A_274 = arith.addf %add3A_270, %add3A_270 : vector<16xf32>
        %sub3A_275 = arith.subf %add3A_273, %add3A_274 : vector<16xf32>
        %swap3A_276 = arith.index_cast %add3A_259 : i32 to index
        %swap3A_277 = tpu.vector_load %arg16[%swap3A_276] {strides = array<i32>} : memref<8192xf32, #tpu.memory_space<vmem>>, vector<16xf32>,
        tpu.vector_store %arg16[%swap3A_276], %sub3A_275 {strides = array<i32>} : memref<8192xf32, #tpu.memory_space<vmem>>, vector<16xf32>,
        %min3A_278 = arith.minimumf %min3A_257, %sub3A_275 : vector<16xf32>
        %add3A_279 = arith.constant 48 : i32
        %add3A_280 = arith.addi %mul3A_217, %add3A_279 : i32
        %get3A_281 = arith.index_cast %add3A_280 : i32 to index
        %get3A_282 = tpu.vector_load %arg12[%get3A_281] {strides = array<i32>} : memref<8192xf32, #tpu.memory_space<vmem>>, vector<16xf32>,
        %mul3A_283 = arith.mulf %get3A_282, %bitcast3A_81 : vector<16xf32>
        %get3A_284 = arith.index_cast %add3A_280 : i32 to index
        %get3A_285 = tpu.vector_load %arg13[%get3A_284] {strides = array<i32>} : memref<8192xf32, #tpu.memory_space<vmem>>, vector<16xf32>,
        %mul3A_286 = arith.mulf %get3A_285, %bitcast3A_96 : vector<16xf32>
        %add3A_287 = arith.addf %mul3A_283, %mul3A_286 : vector<16xf32>
        %get3A_288 = arith.index_cast %add3A_280 : i32 to index
        %get3A_289 = tpu.vector_load %arg14[%get3A_288] {strides = array<i32>} : memref<8192xf32, #tpu.memory_space<vmem>>, vector<16xf32>,
        %mul3A_290 = arith.mulf %get3A_289, %bitcast3A_111 : vector<16xf32>
        %add3A_291 = arith.addf %add3A_287, %mul3A_290 : vector<16xf32>
        %get3A_292 = arith.index_cast %add3A_280 : i32 to index
        %get3A_293 = tpu.vector_load %arg15[%get3A_292] {strides = array<i32>} : memref<8192xf32, #tpu.memory_space<vmem>>, vector<16xf32>,
        %add3A_294 = arith.addf %add3A_68, %get3A_293 : vector<16xf32>
        %add3A_295 = arith.addf %add3A_291, %add3A_291 : vector<16xf32>
        %sub3A_296 = arith.subf %add3A_294, %add3A_295 : vector<16xf32>
        %swap3A_297 = arith.index_cast %add3A_280 : i32 to index
        %swap3A_298 = tpu.vector_load %arg16[%swap3A_297] {strides = array<i32>} : memref<8192xf32, #tpu.memory_space<vmem>>, vector<16xf32>,
        tpu.vector_store %arg16[%swap3A_297], %sub3A_296 {strides = array<i32>} : memref<8192xf32, #tpu.memory_space<vmem>>, vector<16xf32>,
        %min3A_299 = arith.minimumf %min3A_278, %sub3A_296 : vector<16xf32>
        %add3A_300 = arith.constant 64 : i32
        %add3A_301 = arith.addi %mul3A_217, %add3A_300 : i32
        %get3A_302 = arith.index_cast %add3A_301 : i32 to index
        %get3A_303 = tpu.vector_load %arg12[%get3A_302] {strides = array<i32>} : memref<8192xf32, #tpu.memory_space<vmem>>, vector<16xf32>,
        %mul3A_304 = arith.mulf %get3A_303, %bitcast3A_81 : vector<16xf32>
        %get3A_305 = arith.index_cast %add3A_301 : i32 to index
        %get3A_306 = tpu.vector_load %arg13[%get3A_305] {strides = array<i32>} : memref<8192xf32, #tpu.memory_space<vmem>>, vector<16xf32>,
        %mul3A_307 = arith.mulf %get3A_306, %bitcast3A_96 : vector<16xf32>
        %add3A_308 = arith.addf %mul3A_304, %mul3A_307 : vector<16xf32>
        %get3A_309 = arith.index_cast %add3A_301 : i32 to index
        %get3A_310 = tpu.vector_load %arg14[%get3A_309] {strides = array<i32>} : memref<8192xf32, #tpu.memory_space<vmem>>, vector<16xf32>,
        %mul3A_311 = arith.mulf %get3A_310, %bitcast3A_111 : vector<16xf32>
        %add3A_312 = arith.addf %add3A_308, %mul3A_311 : vector<16xf32>
        %get3A_313 = arith.index_cast %add3A_301 : i32 to index
        %get3A_314 = tpu.vector_load %arg15[%get3A_313] {strides = array<i32>} : memref<8192xf32, #tpu.memory_space<vmem>>, vector<16xf32>,
        %add3A_315 = arith.addf %add3A_68, %get3A_314 : vector<16xf32>
        %add3A_316 = arith.addf %add3A_312, %add3A_312 : vector<16xf32>
        %sub3A_317 = arith.subf %add3A_315, %add3A_316 : vector<16xf32>
        %swap3A_318 = arith.index_cast %add3A_301 : i32 to index
        %swap3A_319 = tpu.vector_load %arg16[%swap3A_318] {strides = array<i32>} : memref<8192xf32, #tpu.memory_space<vmem>>, vector<16xf32>,
        tpu.vector_store %arg16[%swap3A_318], %sub3A_317 {strides = array<i32>} : memref<8192xf32, #tpu.memory_space<vmem>>, vector<16xf32>,
        %min3A_320 = arith.minimumf %min3A_299, %sub3A_317 : vector<16xf32>
        %add3A_321 = arith.constant 80 : i32
        %add3A_322 = arith.addi %mul3A_217, %add3A_321 : i32
        %get3A_323 = arith.index_cast %add3A_322 : i32 to index
        %get3A_324 = tpu.vector_load %arg12[%get3A_323] {strides = array<i32>} : memref<8192xf32, #tpu.memory_space<vmem>>, vector<16xf32>,
        %mul3A_325 = arith.mulf %get3A_324, %bitcast3A_81 : vector<16xf32>
        %get3A_326 = arith.index_cast %add3A_322 : i32 to index
        %get3A_327 = tpu.vector_load %arg13[%get3A_326] {strides = array<i32>} : memref<8192xf32, #tpu.memory_space<vmem>>, vector<16xf32>,
        %mul3A_328 = arith.mulf %get3A_327, %bitcast3A_96 : vector<16xf32>
        %add3A_329 = arith.addf %mul3A_325, %mul3A_328 : vector<16xf32>
        %get3A_330 = arith.index_cast %add3A_322 : i32 to index
        %get3A_331 = tpu.vector_load %arg14[%get3A_330] {strides = array<i32>} : memref<8192xf32, #tpu.memory_space<vmem>>, vector<16xf32>,
        %mul3A_332 = arith.mulf %get3A_331, %bitcast3A_111 : vector<16xf32>
        %add3A_333 = arith.addf %add3A_329, %mul3A_332 : vector<16xf32>
        %get3A_334 = arith.index_cast %add3A_322 : i32 to index
        %get3A_335 = tpu.vector_load %arg15[%get3A_334] {strides = array<i32>} : memref<8192xf32, #tpu.memory_space<vmem>>, vector<16xf32>,
        %add3A_336 = arith.addf %add3A_68, %get3A_335 : vector<16xf32>
        %add3A_337 = arith.addf %add3A_333, %add3A_333 : vector<16xf32>
        %sub3A_338 = arith.subf %add3A_336, %add3A_337 : vector<16xf32>
        %swap3A_339 = arith.index_cast %add3A_322 : i32 to index
        %swap3A_340 = tpu.vector_load %arg16[%swap3A_339] {strides = array<i32>} : memref<8192xf32, #tpu.memory_space<vmem>>, vector<16xf32>,
        tpu.vector_store %arg16[%swap3A_339], %sub3A_338 {strides = array<i32>} : memref<8192xf32, #tpu.memory_space<vmem>>, vector<16xf32>,
        %min3A_341 = arith.minimumf %min3A_320, %sub3A_338 : vector<16xf32>
        %add3A_342 = arith.constant 96 : i32
        %add3A_343 = arith.addi %mul3A_217, %add3A_342 : i32
        %get3A_344 = arith.index_cast %add3A_343 : i32 to index
        %get3A_345 = tpu.vector_load %arg12[%get3A_344] {strides = array<i32>} : memref<8192xf32, #tpu.memory_space<vmem>>, vector<16xf32>,
        %mul3A_346 = arith.mulf %get3A_345, %bitcast3A_81 : vector<16xf32>
        %get3A_347 = arith.index_cast %add3A_343 : i32 to index
        %get3A_348 = tpu.vector_load %arg13[%get3A_347] {strides = array<i32>} : memref<8192xf32, #tpu.memory_space<vmem>>, vector<16xf32>,
        %mul3A_349 = arith.mulf %get3A_348, %bitcast3A_96 : vector<16xf32>
        %add3A_350 = arith.addf %mul3A_346, %mul3A_349 : vector<16xf32>
        %get3A_351 = arith.index_cast %add3A_343 : i32 to index
        %get3A_352 = tpu.vector_load %arg14[%get3A_351] {strides = array<i32>} : memref<8192xf32, #tpu.memory_space<vmem>>, vector<16xf32>,
        %mul3A_353 = arith.mulf %get3A_352, %bitcast3A_111 : vector<16xf32>
        %add3A_354 = arith.addf %add3A_350, %mul3A_353 : vector<16xf32>
        %get3A_355 = arith.index_cast %add3A_343 : i32 to index
        %get3A_356 = tpu.vector_load %arg15[%get3A_355] {strides = array<i32>} : memref<8192xf32, #tpu.memory_space<vmem>>, vector<16xf32>,
        %add3A_357 = arith.addf %add3A_68, %get3A_356 : vector<16xf32>
        %add3A_358 = arith.addf %add3A_354, %add3A_354 : vector<16xf32>
        %sub3A_359 = arith.subf %add3A_357, %add3A_358 : vector<16xf32>
        %swap3A_360 = arith.index_cast %add3A_343 : i32 to index
        %swap3A_361 = tpu.vector_load %arg16[%swap3A_360] {strides = array<i32>} : memref<8192xf32, #tpu.memory_space<vmem>>, vector<16xf32>,
        tpu.vector_store %arg16[%swap3A_360], %sub3A_359 {strides = array<i32>} : memref<8192xf32, #tpu.memory_space<vmem>>, vector<16xf32>,
        %min3A_362 = arith.minimumf %min3A_341, %sub3A_359 : vector<16xf32>
        %add3A_363 = arith.constant 112 : i32
        %add3A_364 = arith.addi %mul3A_217, %add3A_363 : i32
        %get3A_365 = arith.index_cast %add3A_364 : i32 to index
        %get3A_366 = tpu.vector_load %arg12[%get3A_365] {strides = array<i32>} : memref<8192xf32, #tpu.memory_space<vmem>>, vector<16xf32>,
        %mul3A_367 = arith.mulf %get3A_366, %bitcast3A_81 : vector<16xf32>
        %get3A_368 = arith.index_cast %add3A_364 : i32 to index
        %get3A_369 = tpu.vector_load %arg13[%get3A_368] {strides = array<i32>} : memref<8192xf32, #tpu.memory_space<vmem>>, vector<16xf32>,
        %mul3A_370 = arith.mulf %get3A_369, %bitcast3A_96 : vector<16xf32>
        %add3A_371 = arith.addf %mul3A_367, %mul3A_370 : vector<16xf32>
        %get3A_372 = arith.index_cast %add3A_364 : i32 to index
        %get3A_373 = tpu.vector_load %arg14[%get3A_372] {strides = array<i32>} : memref<8192xf32, #tpu.memory_space<vmem>>, vector<16xf32>,
        %mul3A_374 = arith.mulf %get3A_373, %bitcast3A_111 : vector<16xf32>
        %add3A_375 = arith.addf %add3A_371, %mul3A_374 : vector<16xf32>
        %get3A_376 = arith.index_cast %add3A_364 : i32 to index
        %get3A_377 = tpu.vector_load %arg15[%get3A_376] {strides = array<i32>} : memref<8192xf32, #tpu.memory_space<vmem>>, vector<16xf32>,
        %add3A_378 = arith.addf %add3A_68, %get3A_377 : vector<16xf32>
        %add3A_379 = arith.addf %add3A_375, %add3A_375 : vector<16xf32>
        %sub3A_380 = arith.subf %add3A_378, %add3A_379 : vector<16xf32>
        %swap3A_381 = arith.index_cast %add3A_364 : i32 to index
        %swap3A_382 = tpu.vector_load %arg16[%swap3A_381] {strides = array<i32>} : memref<8192xf32, #tpu.memory_space<vmem>>, vector<16xf32>,
        tpu.vector_store %arg16[%swap3A_381], %sub3A_380 {strides = array<i32>} : memref<8192xf32, #tpu.memory_space<vmem>>, vector<16xf32>,
        %min3A_383 = arith.minimumf %min3A_362, %sub3A_380 : vector<16xf32>
        %add3A_384 = arith.constant 128 : i32
        %add3A_385 = arith.addi %mul3A_217, %add3A_384 : i32
        %get3A_386 = arith.index_cast %add3A_385 : i32 to index
        %get3A_387 = tpu.vector_load %arg12[%get3A_386] {strides = array<i32>} : memref<8192xf32, #tpu.memory_space<vmem>>, vector<16xf32>,
        %mul3A_388 = arith.mulf %get3A_387, %bitcast3A_81 : vector<16xf32>
        %get3A_389 = arith.index_cast %add3A_385 : i32 to index
        %get3A_390 = tpu.vector_load %arg13[%get3A_389] {strides = array<i32>} : memref<8192xf32, #tpu.memory_space<vmem>>, vector<16xf32>,
        %mul3A_391 = arith.mulf %get3A_390, %bitcast3A_96 : vector<16xf32>
        %add3A_392 = arith.addf %mul3A_388, %mul3A_391 : vector<16xf32>
        %get3A_393 = arith.index_cast %add3A_385 : i32 to index
        %get3A_394 = tpu.vector_load %arg14[%get3A_393] {strides = array<i32>} : memref<8192xf32, #tpu.memory_space<vmem>>, vector<16xf32>,
        %mul3A_395 = arith.mulf %get3A_394, %bitcast3A_111 : vector<16xf32>
        %add3A_396 = arith.addf %add3A_392, %mul3A_395 : vector<16xf32>
        %get3A_397 = arith.index_cast %add3A_385 : i32 to index
        %get3A_398 = tpu.vector_load %arg15[%get3A_397] {strides = array<i32>} : memref<8192xf32, #tpu.memory_space<vmem>>, vector<16xf32>,
        %add3A_399 = arith.addf %add3A_68, %get3A_398 : vector<16xf32>
        %add3A_400 = arith.addf %add3A_396, %add3A_396 : vector<16xf32>
        %sub3A_401 = arith.subf %add3A_399, %add3A_400 : vector<16xf32>
        %swap3A_402 = arith.index_cast %add3A_385 : i32 to index
        %swap3A_403 = tpu.vector_load %arg16[%swap3A_402] {strides = array<i32>} : memref<8192xf32, #tpu.memory_space<vmem>>, vector<16xf32>,
        tpu.vector_store %arg16[%swap3A_402], %sub3A_401 {strides = array<i32>} : memref<8192xf32, #tpu.memory_space<vmem>>, vector<16xf32>,
        %min3A_404 = arith.minimumf %min3A_383, %sub3A_401 : vector<16xf32>
        %add3A_405 = arith.constant 144 : i32
        %add3A_406 = arith.addi %mul3A_217, %add3A_405 : i32
        %get3A_407 = arith.index_cast %add3A_406 : i32 to index
        %get3A_408 = tpu.vector_load %arg12[%get3A_407] {strides = array<i32>} : memref<8192xf32, #tpu.memory_space<vmem>>, vector<16xf32>,
        %mul3A_409 = arith.mulf %get3A_408, %bitcast3A_81 : vector<16xf32>
        %get3A_410 = arith.index_cast %add3A_406 : i32 to index
        %get3A_411 = tpu.vector_load %arg13[%get3A_410] {strides = array<i32>} : memref<8192xf32, #tpu.memory_space<vmem>>, vector<16xf32>,
        %mul3A_412 = arith.mulf %get3A_411, %bitcast3A_96 : vector<16xf32>
        %add3A_413 = arith.addf %mul3A_409, %mul3A_412 : vector<16xf32>
        %get3A_414 = arith.index_cast %add3A_406 : i32 to index
        %get3A_415 = tpu.vector_load %arg14[%get3A_414] {strides = array<i32>} : memref<8192xf32, #tpu.memory_space<vmem>>, vector<16xf32>,
        %mul3A_416 = arith.mulf %get3A_415, %bitcast3A_111 : vector<16xf32>
        %add3A_417 = arith.addf %add3A_413, %mul3A_416 : vector<16xf32>
        %get3A_418 = arith.index_cast %add3A_406 : i32 to index
        %get3A_419 = tpu.vector_load %arg15[%get3A_418] {strides = array<i32>} : memref<8192xf32, #tpu.memory_space<vmem>>, vector<16xf32>,
        %add3A_420 = arith.addf %add3A_68, %get3A_419 : vector<16xf32>
        %add3A_421 = arith.addf %add3A_417, %add3A_417 : vector<16xf32>
        %sub3A_422 = arith.subf %add3A_420, %add3A_421 : vector<16xf32>
        %swap3A_423 = arith.index_cast %add3A_406 : i32 to index
        %swap3A_424 = tpu.vector_load %arg16[%swap3A_423] {strides = array<i32>} : memref<8192xf32, #tpu.memory_space<vmem>>, vector<16xf32>,
        tpu.vector_store %arg16[%swap3A_423], %sub3A_422 {strides = array<i32>} : memref<8192xf32, #tpu.memory_space<vmem>>, vector<16xf32>,
        %min3A_425 = arith.minimumf %min3A_404, %sub3A_422 : vector<16xf32>
        %add3A_426 = arith.constant 160 : i32
        %add3A_427 = arith.addi %mul3A_217, %add3A_426 : i32
        %get3A_428 = arith.index_cast %add3A_427 : i32 to index
        %get3A_429 = tpu.vector_load %arg12[%get3A_428] {strides = array<i32>} : memref<8192xf32, #tpu.memory_space<vmem>>, vector<16xf32>,
        %mul3A_430 = arith.mulf %get3A_429, %bitcast3A_81 : vector<16xf32>
        %get3A_431 = arith.index_cast %add3A_427 : i32 to index
        %get3A_432 = tpu.vector_load %arg13[%get3A_431] {strides = array<i32>} : memref<8192xf32, #tpu.memory_space<vmem>>, vector<16xf32>,
        %mul3A_433 = arith.mulf %get3A_432, %bitcast3A_96 : vector<16xf32>
        %add3A_434 = arith.addf %mul3A_430, %mul3A_433 : vector<16xf32>
        %get3A_435 = arith.index_cast %add3A_427 : i32 to index
        %get3A_436 = tpu.vector_load %arg14[%get3A_435] {strides = array<i32>} : memref<8192xf32, #tpu.memory_space<vmem>>, vector<16xf32>,
        %mul3A_437 = arith.mulf %get3A_436, %bitcast3A_111 : vector<16xf32>
        %add3A_438 = arith.addf %add3A_434, %mul3A_437 : vector<16xf32>
        %get3A_439 = arith.index_cast %add3A_427 : i32 to index
        %get3A_440 = tpu.vector_load %arg15[%get3A_439] {strides = array<i32>} : memref<8192xf32, #tpu.memory_space<vmem>>, vector<16xf32>,
        %add3A_441 = arith.addf %add3A_68, %get3A_440 : vector<16xf32>
        %add3A_442 = arith.addf %add3A_438, %add3A_438 : vector<16xf32>
        %sub3A_443 = arith.subf %add3A_441, %add3A_442 : vector<16xf32>
        %swap3A_444 = arith.index_cast %add3A_427 : i32 to index
        %swap3A_445 = tpu.vector_load %arg16[%swap3A_444] {strides = array<i32>} : memref<8192xf32, #tpu.memory_space<vmem>>, vector<16xf32>,
        tpu.vector_store %arg16[%swap3A_444], %sub3A_443 {strides = array<i32>} : memref<8192xf32, #tpu.memory_space<vmem>>, vector<16xf32>,
        %min3A_446 = arith.minimumf %min3A_425, %sub3A_443 : vector<16xf32>
        %add3A_447 = arith.constant 176 : i32
        %add3A_448 = arith.addi %mul3A_217, %add3A_447 : i32
        %get3A_449 = arith.index_cast %add3A_448 : i32 to index
        %get3A_450 = tpu.vector_load %arg12[%get3A_449] {strides = array<i32>} : memref<8192xf32, #tpu.memory_space<vmem>>, vector<16xf32>,
        %mul3A_451 = arith.mulf %get3A_450, %bitcast3A_81 : vector<16xf32>
        %get3A_452 = arith.index_cast %add3A_448 : i32 to index
        %get3A_453 = tpu.vector_load %arg13[%get3A_452] {strides = array<i32>} : memref<8192xf32, #tpu.memory_space<vmem>>, vector<16xf32>,
        %mul3A_454 = arith.mulf %get3A_453, %bitcast3A_96 : vector<16xf32>
        %add3A_455 = arith.addf %mul3A_451, %mul3A_454 : vector<16xf32>
        %get3A_456 = arith.index_cast %add3A_448 : i32 to index
        %get3A_457 = tpu.vector_load %arg14[%get3A_456] {strides = array<i32>} : memref<8192xf32, #tpu.memory_space<vmem>>, vector<16xf32>,
        %mul3A_458 = arith.mulf %get3A_457, %bitcast3A_111 : vector<16xf32>
        %add3A_459 = arith.addf %add3A_455, %mul3A_458 : vector<16xf32>
        %get3A_460 = arith.index_cast %add3A_448 : i32 to index
        %get3A_461 = tpu.vector_load %arg15[%get3A_460] {strides = array<i32>} : memref<8192xf32, #tpu.memory_space<vmem>>, vector<16xf32>,
        %add3A_462 = arith.addf %add3A_68, %get3A_461 : vector<16xf32>
        %add3A_463 = arith.addf %add3A_459, %add3A_459 : vector<16xf32>
        %sub3A_464 = arith.subf %add3A_462, %add3A_463 : vector<16xf32>
        %swap3A_465 = arith.index_cast %add3A_448 : i32 to index
        %swap3A_466 = tpu.vector_load %arg16[%swap3A_465] {strides = array<i32>} : memref<8192xf32, #tpu.memory_space<vmem>>, vector<16xf32>,
        tpu.vector_store %arg16[%swap3A_465], %sub3A_464 {strides = array<i32>} : memref<8192xf32, #tpu.memory_space<vmem>>, vector<16xf32>,
        %min3A_467 = arith.minimumf %min3A_446, %sub3A_464 : vector<16xf32>
        %add3A_468 = arith.constant 192 : i32
        %add3A_469 = arith.addi %mul3A_217, %add3A_468 : i32
        %get3A_470 = arith.index_cast %add3A_469 : i32 to index
        %get3A_471 = tpu.vector_load %arg12[%get3A_470] {strides = array<i32>} : memref<8192xf32, #tpu.memory_space<vmem>>, vector<16xf32>,
        %mul3A_472 = arith.mulf %get3A_471, %bitcast3A_81 : vector<16xf32>
        %get3A_473 = arith.index_cast %add3A_469 : i32 to index
        %get3A_474 = tpu.vector_load %arg13[%get3A_473] {strides = array<i32>} : memref<8192xf32, #tpu.memory_space<vmem>>, vector<16xf32>,
        %mul3A_475 = arith.mulf %get3A_474, %bitcast3A_96 : vector<16xf32>
        %add3A_476 = arith.addf %mul3A_472, %mul3A_475 : vector<16xf32>
        %get3A_477 = arith.index_cast %add3A_469 : i32 to index
        %get3A_478 = tpu.vector_load %arg14[%get3A_477] {strides = array<i32>} : memref<8192xf32, #tpu.memory_space<vmem>>, vector<16xf32>,
        %mul3A_479 = arith.mulf %get3A_478, %bitcast3A_111 : vector<16xf32>
        %add3A_480 = arith.addf %add3A_476, %mul3A_479 : vector<16xf32>
        %get3A_481 = arith.index_cast %add3A_469 : i32 to index
        %get3A_482 = tpu.vector_load %arg15[%get3A_481] {strides = array<i32>} : memref<8192xf32, #tpu.memory_space<vmem>>, vector<16xf32>,
        %add3A_483 = arith.addf %add3A_68, %get3A_482 : vector<16xf32>
        %add3A_484 = arith.addf %add3A_480, %add3A_480 : vector<16xf32>
        %sub3A_485 = arith.subf %add3A_483, %add3A_484 : vector<16xf32>
        %swap3A_486 = arith.index_cast %add3A_469 : i32 to index
        %swap3A_487 = tpu.vector_load %arg16[%swap3A_486] {strides = array<i32>} : memref<8192xf32, #tpu.memory_space<vmem>>, vector<16xf32>,
        tpu.vector_store %arg16[%swap3A_486], %sub3A_485 {strides = array<i32>} : memref<8192xf32, #tpu.memory_space<vmem>>, vector<16xf32>,
        %min3A_488 = arith.minimumf %min3A_467, %sub3A_485 : vector<16xf32>
        %add3A_489 = arith.constant 208 : i32
        %add3A_490 = arith.addi %mul3A_217, %add3A_489 : i32
        %get3A_491 = arith.index_cast %add3A_490 : i32 to index
        %get3A_492 = tpu.vector_load %arg12[%get3A_491] {strides = array<i32>} : memref<8192xf32, #tpu.memory_space<vmem>>, vector<16xf32>,
        %mul3A_493 = arith.mulf %get3A_492, %bitcast3A_81 : vector<16xf32>
        %get3A_494 = arith.index_cast %add3A_490 : i32 to index
        %get3A_495 = tpu.vector_load %arg13[%get3A_494] {strides = array<i32>} : memref<8192xf32, #tpu.memory_space<vmem>>, vector<16xf32>,
        %mul3A_496 = arith.mulf %get3A_495, %bitcast3A_96 : vector<16xf32>
        %add3A_497 = arith.addf %mul3A_493, %mul3A_496 : vector<16xf32>
        %get3A_498 = arith.index_cast %add3A_490 : i32 to index
        %get3A_499 = tpu.vector_load %arg14[%get3A_498] {strides = array<i32>} : memref<8192xf32, #tpu.memory_space<vmem>>, vector<16xf32>,
        %mul3A_500 = arith.mulf %get3A_499, %bitcast3A_111 : vector<16xf32>
        %add3A_501 = arith.addf %add3A_497, %mul3A_500 : vector<16xf32>
        %get3A_502 = arith.index_cast %add3A_490 : i32 to index
        %get3A_503 = tpu.vector_load %arg15[%get3A_502] {strides = array<i32>} : memref<8192xf32, #tpu.memory_space<vmem>>, vector<16xf32>,
        %add3A_504 = arith.addf %add3A_68, %get3A_503 : vector<16xf32>
        %add3A_505 = arith.addf %add3A_501, %add3A_501 : vector<16xf32>
        %sub3A_506 = arith.subf %add3A_504, %add3A_505 : vector<16xf32>
        %swap3A_507 = arith.index_cast %add3A_490 : i32 to index
        %swap3A_508 = tpu.vector_load %arg16[%swap3A_507] {strides = array<i32>} : memref<8192xf32, #tpu.memory_space<vmem>>, vector<16xf32>,
        tpu.vector_store %arg16[%swap3A_507], %sub3A_506 {strides = array<i32>} : memref<8192xf32, #tpu.memory_space<vmem>>, vector<16xf32>,
        %min3A_509 = arith.minimumf %min3A_488, %sub3A_506 : vector<16xf32>
        %add3A_510 = arith.constant 224 : i32
        %add3A_511 = arith.addi %mul3A_217, %add3A_510 : i32
        %get3A_512 = arith.index_cast %add3A_511 : i32 to index
        %get3A_513 = tpu.vector_load %arg12[%get3A_512] {strides = array<i32>} : memref<8192xf32, #tpu.memory_space<vmem>>, vector<16xf32>,
        %mul3A_514 = arith.mulf %get3A_513, %bitcast3A_81 : vector<16xf32>
        %get3A_515 = arith.index_cast %add3A_511 : i32 to index
        %get3A_516 = tpu.vector_load %arg13[%get3A_515] {strides = array<i32>} : memref<8192xf32, #tpu.memory_space<vmem>>, vector<16xf32>,
        %mul3A_517 = arith.mulf %get3A_516, %bitcast3A_96 : vector<16xf32>
        %add3A_518 = arith.addf %mul3A_514, %mul3A_517 : vector<16xf32>
        %get3A_519 = arith.index_cast %add3A_511 : i32 to index
        %get3A_520 = tpu.vector_load %arg14[%get3A_519] {strides = array<i32>} : memref<8192xf32, #tpu.memory_space<vmem>>, vector<16xf32>,
        %mul3A_521 = arith.mulf %get3A_520, %bitcast3A_111 : vector<16xf32>
        %add3A_522 = arith.addf %add3A_518, %mul3A_521 : vector<16xf32>
        %get3A_523 = arith.index_cast %add3A_511 : i32 to index
        %get3A_524 = tpu.vector_load %arg15[%get3A_523] {strides = array<i32>} : memref<8192xf32, #tpu.memory_space<vmem>>, vector<16xf32>,
        %add3A_525 = arith.addf %add3A_68, %get3A_524 : vector<16xf32>
        %add3A_526 = arith.addf %add3A_522, %add3A_522 : vector<16xf32>
        %sub3A_527 = arith.subf %add3A_525, %add3A_526 : vector<16xf32>
        %swap3A_528 = arith.index_cast %add3A_511 : i32 to index
        %swap3A_529 = tpu.vector_load %arg16[%swap3A_528] {strides = array<i32>} : memref<8192xf32, #tpu.memory_space<vmem>>, vector<16xf32>,
        tpu.vector_store %arg16[%swap3A_528], %sub3A_527 {strides = array<i32>} : memref<8192xf32, #tpu.memory_space<vmem>>, vector<16xf32>,
        %min3A_530 = arith.minimumf %min3A_509, %sub3A_527 : vector<16xf32>
        %add3A_531 = arith.constant 240 : i32
        %add3A_532 = arith.addi %mul3A_217, %add3A_531 : i32
        %get3A_533 = arith.index_cast %add3A_532 : i32 to index
        %get3A_534 = tpu.vector_load %arg12[%get3A_533] {strides = array<i32>} : memref<8192xf32, #tpu.memory_space<vmem>>, vector<16xf32>,
        %mul3A_535 = arith.mulf %get3A_534, %bitcast3A_81 : vector<16xf32>
        %get3A_536 = arith.index_cast %add3A_532 : i32 to index
        %get3A_537 = tpu.vector_load %arg13[%get3A_536] {strides = array<i32>} : memref<8192xf32, #tpu.memory_space<vmem>>, vector<16xf32>,
        %mul3A_538 = arith.mulf %get3A_537, %bitcast3A_96 : vector<16xf32>
        %add3A_539 = arith.addf %mul3A_535, %mul3A_538 : vector<16xf32>
        %get3A_540 = arith.index_cast %add3A_532 : i32 to index
        %get3A_541 = tpu.vector_load %arg14[%get3A_540] {strides = array<i32>} : memref<8192xf32, #tpu.memory_space<vmem>>, vector<16xf32>,
        %mul3A_542 = arith.mulf %get3A_541, %bitcast3A_111 : vector<16xf32>
        %add3A_543 = arith.addf %add3A_539, %mul3A_542 : vector<16xf32>
        %get3A_544 = arith.index_cast %add3A_532 : i32 to index
        %get3A_545 = tpu.vector_load %arg15[%get3A_544] {strides = array<i32>} : memref<8192xf32, #tpu.memory_space<vmem>>, vector<16xf32>,
        %add3A_546 = arith.addf %add3A_68, %get3A_545 : vector<16xf32>
        %add3A_547 = arith.addf %add3A_543, %add3A_543 : vector<16xf32>
        %sub3A_548 = arith.subf %add3A_546, %add3A_547 : vector<16xf32>
        %swap3A_549 = arith.index_cast %add3A_532 : i32 to index
        %swap3A_550 = tpu.vector_load %arg16[%swap3A_549] {strides = array<i32>} : memref<8192xf32, #tpu.memory_space<vmem>>, vector<16xf32>,
        tpu.vector_store %arg16[%swap3A_549], %sub3A_548 {strides = array<i32>} : memref<8192xf32, #tpu.memory_space<vmem>>, vector<16xf32>,
        %min3A_551 = arith.minimumf %min3A_530, %sub3A_548 : vector<16xf32>
        %reduce_min3A = arith.constant true
        %reduce_min3A_552 = vector.broadcast %reduce_min3A : i1 to vector<16xi1>
        %reduce_min3A_553 = tpu.scan <min>, %min3A_551 masked %reduce_min3A_552 : vector<16xf32>, vector<16xi1> -> vector<16xf32>
        %reduce_min3A_554 = vector.extract %reduce_min3A_553[15] : f32 from vector<16xf32>
        %max3A = arith.maximumf %scan3A_212, %reduce_min3A_554 : f32
        scf.yield %max3A : f32
      }
      %scan3A_118 = arith.constant 32 : i32
      %add3A_119 = vector.broadcast %scan3A_117 : f32 to vector<16xf32>
      %add3A_120 = arith.addf %broadcast_in_dim3A_37, %add3A_119 : vector<16xf32>
      %sub3A_121 = arith.constant 1 : i32
      %sub3A_122 = vector.broadcast %sub3A_121 : i32 to vector<16xi32>
      %sub3A_123 = arith.subi %broadcast_in_dim3A_39, %sub3A_122 : vector<16xi32>
      %scan3A_124 = arith.constant 0 : i32
      %scan3A_125 = arith.constant 512 : i32
      %scan3A_126 = arith.addi %scan3A_124, %scan3A_125 : i32
      %scan3A_127 = arith.constant 8 : i32
      %scan3A_128 = scf.for %scan3A_211 = %scan3A_124 to %scan3A_126 step %scan3A_127 iter_args(%scan3A_212 = %sub3A_123) -> (vector<16xi32>)  : i32 {
        %mul3A_213 = arith.constant 16 : i32
        %mul3A_214 = arith.muli %scan3A_211, %mul3A_213 : i32
        %get3A = arith.index_cast %mul3A_214 : i32 to index
        %get3A_215 = tpu.vector_load %arg16[%get3A] {strides = array<i32>} : memref<8192xf32, #tpu.memory_space<vmem>>, vector<16xf32>,
        %le3A = arith.cmpf ole, %get3A_215, %add3A_120 : vector<16xf32>
        %convert_element_type3A = arith.extui %le3A : vector<16xi1> to vector<16xi32>
        %broadcast_in_dim3A_216 = arith.constant true
        %broadcast_in_dim3A_217 = vector.broadcast %broadcast_in_dim3A_216 : i1 to vector<16xi1>
        %masked_cumsum3A = tpu.scan <sum>, %convert_element_type3A masked %broadcast_in_dim3A_217 : vector<16xi32>, vector<16xi1> -> vector<16xi32>
        %add3A_218 = arith.addi %scan3A_212, %masked_cumsum3A : vector<16xi32>
        %mul3A_219 = arith.constant 16 : i32
        %mul3A_220 = arith.muli %scan3A_211, %mul3A_219 : i32
        %add3A_221 = vector.broadcast %mul3A_220 : i32 to vector<16xi32>
        %add3A_222 = arith.addi %iota3A, %add3A_221 : vector<16xi32>
        tpu.vector_store_idx %arg17[%add3A_218], %add3A_222 masked %le3A : memref<8192xi32, #tpu.memory_space<vmem>>[vector<16xi32>], vector<16xi32>, vector<16xi1>
        %all_reduce_population_count3A = tpu.all_reduce %le3A {dim = 0 : i64, kind = #tpu.reduction_kind<sum>} : vector<16xi1> -> vector<16xi32>
        %add3A_223 = arith.addi %scan3A_212, %all_reduce_population_count3A : vector<16xi32>
        %scan3A_224 = arith.constant 1 : i32
        %scan3A_225 = arith.addi %scan3A_211, %scan3A_224 : i32
        %mul3A_226 = arith.constant 16 : i32
        %mul3A_227 = arith.muli %scan3A_225, %mul3A_226 : i32
        %get3A_228 = arith.index_cast %mul3A_227 : i32 to index
        %get3A_229 = tpu.vector_load %arg16[%get3A_228] {strides = array<i32>} : memref<8192xf32, #tpu.memory_space<vmem>>, vector<16xf32>,
        %le3A_230 = arith.cmpf ole, %get3A_229, %add3A_120 : vector<16xf32>
        %convert_element_type3A_231 = arith.extui %le3A_230 : vector<16xi1> to vector<16xi32>
        %broadcast_in_dim3A_232 = arith.constant true
        %broadcast_in_dim3A_233 = vector.broadcast %broadcast_in_dim3A_232 : i1 to vector<16xi1>
        %masked_cumsum3A_234 = tpu.scan <sum>, %convert_element_type3A_231 masked %broadcast_in_dim3A_233 : vector<16xi32>, vector<16xi1> -> vector<16xi32>
        %add3A_235 = arith.addi %add3A_223, %masked_cumsum3A_234 : vector<16xi32>
        %mul3A_236 = arith.constant 16 : i32
        %mul3A_237 = arith.muli %scan3A_225, %mul3A_236 : i32
        %add3A_238 = vector.broadcast %mul3A_237 : i32 to vector<16xi32>
        %add3A_239 = arith.addi %iota3A, %add3A_238 : vector<16xi32>
        tpu.vector_store_idx %arg17[%add3A_235], %add3A_239 masked %le3A_230 : memref<8192xi32, #tpu.memory_space<vmem>>[vector<16xi32>], vector<16xi32>, vector<16xi1>
        %all_reduce_population_count3A_240 = tpu.all_reduce %le3A_230 {dim = 0 : i64, kind = #tpu.reduction_kind<sum>} : vector<16xi1> -> vector<16xi32>
        %add3A_241 = arith.addi %add3A_223, %all_reduce_population_count3A_240 : vector<16xi32>
        %scan3A_242 = arith.constant 2 : i32
        %scan3A_243 = arith.addi %scan3A_211, %scan3A_242 : i32
        %mul3A_244 = arith.constant 16 : i32
        %mul3A_245 = arith.muli %scan3A_243, %mul3A_244 : i32
        %get3A_246 = arith.index_cast %mul3A_245 : i32 to index
        %get3A_247 = tpu.vector_load %arg16[%get3A_246] {strides = array<i32>} : memref<8192xf32, #tpu.memory_space<vmem>>, vector<16xf32>,
        %le3A_248 = arith.cmpf ole, %get3A_247, %add3A_120 : vector<16xf32>
        %convert_element_type3A_249 = arith.extui %le3A_248 : vector<16xi1> to vector<16xi32>
        %broadcast_in_dim3A_250 = arith.constant true
        %broadcast_in_dim3A_251 = vector.broadcast %broadcast_in_dim3A_250 : i1 to vector<16xi1>
        %masked_cumsum3A_252 = tpu.scan <sum>, %convert_element_type3A_249 masked %broadcast_in_dim3A_251 : vector<16xi32>, vector<16xi1> -> vector<16xi32>
        %add3A_253 = arith.addi %add3A_241, %masked_cumsum3A_252 : vector<16xi32>
        %mul3A_254 = arith.constant 16 : i32
        %mul3A_255 = arith.muli %scan3A_243, %mul3A_254 : i32
        %add3A_256 = vector.broadcast %mul3A_255 : i32 to vector<16xi32>
        %add3A_257 = arith.addi %iota3A, %add3A_256 : vector<16xi32>
        tpu.vector_store_idx %arg17[%add3A_253], %add3A_257 masked %le3A_248 : memref<8192xi32, #tpu.memory_space<vmem>>[vector<16xi32>], vector<16xi32>, vector<16xi1>
        %all_reduce_population_count3A_258 = tpu.all_reduce %le3A_248 {dim = 0 : i64, kind = #tpu.reduction_kind<sum>} : vector<16xi1> -> vector<16xi32>
        %add3A_259 = arith.addi %add3A_241, %all_reduce_population_count3A_258 : vector<16xi32>
        %scan3A_260 = arith.constant 3 : i32
        %scan3A_261 = arith.addi %scan3A_211, %scan3A_260 : i32
        %mul3A_262 = arith.constant 16 : i32
        %mul3A_263 = arith.muli %scan3A_261, %mul3A_262 : i32
        %get3A_264 = arith.index_cast %mul3A_263 : i32 to index
        %get3A_265 = tpu.vector_load %arg16[%get3A_264] {strides = array<i32>} : memref<8192xf32, #tpu.memory_space<vmem>>, vector<16xf32>,
        %le3A_266 = arith.cmpf ole, %get3A_265, %add3A_120 : vector<16xf32>
        %convert_element_type3A_267 = arith.extui %le3A_266 : vector<16xi1> to vector<16xi32>
        %broadcast_in_dim3A_268 = arith.constant true
        %broadcast_in_dim3A_269 = vector.broadcast %broadcast_in_dim3A_268 : i1 to vector<16xi1>
        %masked_cumsum3A_270 = tpu.scan <sum>, %convert_element_type3A_267 masked %broadcast_in_dim3A_269 : vector<16xi32>, vector<16xi1> -> vector<16xi32>
        %add3A_271 = arith.addi %add3A_259, %masked_cumsum3A_270 : vector<16xi32>
        %mul3A_272 = arith.constant 16 : i32
        %mul3A_273 = arith.muli %scan3A_261, %mul3A_272 : i32
        %add3A_274 = vector.broadcast %mul3A_273 : i32 to vector<16xi32>
        %add3A_275 = arith.addi %iota3A, %add3A_274 : vector<16xi32>
        tpu.vector_store_idx %arg17[%add3A_271], %add3A_275 masked %le3A_266 : memref<8192xi32, #tpu.memory_space<vmem>>[vector<16xi32>], vector<16xi32>, vector<16xi1>
        %all_reduce_population_count3A_276 = tpu.all_reduce %le3A_266 {dim = 0 : i64, kind = #tpu.reduction_kind<sum>} : vector<16xi1> -> vector<16xi32>
        %add3A_277 = arith.addi %add3A_259, %all_reduce_population_count3A_276 : vector<16xi32>
        %scan3A_278 = arith.constant 4 : i32
        %scan3A_279 = arith.addi %scan3A_211, %scan3A_278 : i32
        %mul3A_280 = arith.constant 16 : i32
        %mul3A_281 = arith.muli %scan3A_279, %mul3A_280 : i32
        %get3A_282 = arith.index_cast %mul3A_281 : i32 to index
        %get3A_283 = tpu.vector_load %arg16[%get3A_282] {strides = array<i32>} : memref<8192xf32, #tpu.memory_space<vmem>>, vector<16xf32>,
        %le3A_284 = arith.cmpf ole, %get3A_283, %add3A_120 : vector<16xf32>
        %convert_element_type3A_285 = arith.extui %le3A_284 : vector<16xi1> to vector<16xi32>
        %broadcast_in_dim3A_286 = arith.constant true
        %broadcast_in_dim3A_287 = vector.broadcast %broadcast_in_dim3A_286 : i1 to vector<16xi1>
        %masked_cumsum3A_288 = tpu.scan <sum>, %convert_element_type3A_285 masked %broadcast_in_dim3A_287 : vector<16xi32>, vector<16xi1> -> vector<16xi32>
        %add3A_289 = arith.addi %add3A_277, %masked_cumsum3A_288 : vector<16xi32>
        %mul3A_290 = arith.constant 16 : i32
        %mul3A_291 = arith.muli %scan3A_279, %mul3A_290 : i32
        %add3A_292 = vector.broadcast %mul3A_291 : i32 to vector<16xi32>
        %add3A_293 = arith.addi %iota3A, %add3A_292 : vector<16xi32>
        tpu.vector_store_idx %arg17[%add3A_289], %add3A_293 masked %le3A_284 : memref<8192xi32, #tpu.memory_space<vmem>>[vector<16xi32>], vector<16xi32>, vector<16xi1>
        %all_reduce_population_count3A_294 = tpu.all_reduce %le3A_284 {dim = 0 : i64, kind = #tpu.reduction_kind<sum>} : vector<16xi1> -> vector<16xi32>
        %add3A_295 = arith.addi %add3A_277, %all_reduce_population_count3A_294 : vector<16xi32>
        %scan3A_296 = arith.constant 5 : i32
        %scan3A_297 = arith.addi %scan3A_211, %scan3A_296 : i32
        %mul3A_298 = arith.constant 16 : i32
        %mul3A_299 = arith.muli %scan3A_297, %mul3A_298 : i32
        %get3A_300 = arith.index_cast %mul3A_299 : i32 to index
        %get3A_301 = tpu.vector_load %arg16[%get3A_300] {strides = array<i32>} : memref<8192xf32, #tpu.memory_space<vmem>>, vector<16xf32>,
        %le3A_302 = arith.cmpf ole, %get3A_301, %add3A_120 : vector<16xf32>
        %convert_element_type3A_303 = arith.extui %le3A_302 : vector<16xi1> to vector<16xi32>
        %broadcast_in_dim3A_304 = arith.constant true
        %broadcast_in_dim3A_305 = vector.broadcast %broadcast_in_dim3A_304 : i1 to vector<16xi1>
        %masked_cumsum3A_306 = tpu.scan <sum>, %convert_element_type3A_303 masked %broadcast_in_dim3A_305 : vector<16xi32>, vector<16xi1> -> vector<16xi32>
        %add3A_307 = arith.addi %add3A_295, %masked_cumsum3A_306 : vector<16xi32>
        %mul3A_308 = arith.constant 16 : i32
        %mul3A_309 = arith.muli %scan3A_297, %mul3A_308 : i32
        %add3A_310 = vector.broadcast %mul3A_309 : i32 to vector<16xi32>
        %add3A_311 = arith.addi %iota3A, %add3A_310 : vector<16xi32>
        tpu.vector_store_idx %arg17[%add3A_307], %add3A_311 masked %le3A_302 : memref<8192xi32, #tpu.memory_space<vmem>>[vector<16xi32>], vector<16xi32>, vector<16xi1>
        %all_reduce_population_count3A_312 = tpu.all_reduce %le3A_302 {dim = 0 : i64, kind = #tpu.reduction_kind<sum>} : vector<16xi1> -> vector<16xi32>
        %add3A_313 = arith.addi %add3A_295, %all_reduce_population_count3A_312 : vector<16xi32>
        %scan3A_314 = arith.constant 6 : i32
        %scan3A_315 = arith.addi %scan3A_211, %scan3A_314 : i32
        %mul3A_316 = arith.constant 16 : i32
        %mul3A_317 = arith.muli %scan3A_315, %mul3A_316 : i32
        %get3A_318 = arith.index_cast %mul3A_317 : i32 to index
        %get3A_319 = tpu.vector_load %arg16[%get3A_318] {strides = array<i32>} : memref<8192xf32, #tpu.memory_space<vmem>>, vector<16xf32>,
        %le3A_320 = arith.cmpf ole, %get3A_319, %add3A_120 : vector<16xf32>
        %convert_element_type3A_321 = arith.extui %le3A_320 : vector<16xi1> to vector<16xi32>
        %broadcast_in_dim3A_322 = arith.constant true
        %broadcast_in_dim3A_323 = vector.broadcast %broadcast_in_dim3A_322 : i1 to vector<16xi1>
        %masked_cumsum3A_324 = tpu.scan <sum>, %convert_element_type3A_321 masked %broadcast_in_dim3A_323 : vector<16xi32>, vector<16xi1> -> vector<16xi32>
        %add3A_325 = arith.addi %add3A_313, %masked_cumsum3A_324 : vector<16xi32>
        %mul3A_326 = arith.constant 16 : i32
        %mul3A_327 = arith.muli %scan3A_315, %mul3A_326 : i32
        %add3A_328 = vector.broadcast %mul3A_327 : i32 to vector<16xi32>
        %add3A_329 = arith.addi %iota3A, %add3A_328 : vector<16xi32>
        tpu.vector_store_idx %arg17[%add3A_325], %add3A_329 masked %le3A_320 : memref<8192xi32, #tpu.memory_space<vmem>>[vector<16xi32>], vector<16xi32>, vector<16xi1>
        %all_reduce_population_count3A_330 = tpu.all_reduce %le3A_320 {dim = 0 : i64, kind = #tpu.reduction_kind<sum>} : vector<16xi1> -> vector<16xi32>
        %add3A_331 = arith.addi %add3A_313, %all_reduce_population_count3A_330 : vector<16xi32>
        %scan3A_332 = arith.constant 7 : i32
        %scan3A_333 = arith.addi %scan3A_211, %scan3A_332 : i32
        %mul3A_334 = arith.constant 16 : i32
        %mul3A_335 = arith.muli %scan3A_333, %mul3A_334 : i32
        %get3A_336 = arith.index_cast %mul3A_335 : i32 to index
        %get3A_337 = tpu.vector_load %arg16[%get3A_336] {strides = array<i32>} : memref<8192xf32, #tpu.memory_space<vmem>>, vector<16xf32>,
        %le3A_338 = arith.cmpf ole, %get3A_337, %add3A_120 : vector<16xf32>
        %convert_element_type3A_339 = arith.extui %le3A_338 : vector<16xi1> to vector<16xi32>
        %broadcast_in_dim3A_340 = arith.constant true
        %broadcast_in_dim3A_341 = vector.broadcast %broadcast_in_dim3A_340 : i1 to vector<16xi1>
        %masked_cumsum3A_342 = tpu.scan <sum>, %convert_element_type3A_339 masked %broadcast_in_dim3A_341 : vector<16xi32>, vector<16xi1> -> vector<16xi32>
        %add3A_343 = arith.addi %add3A_331, %masked_cumsum3A_342 : vector<16xi32>
        %mul3A_344 = arith.constant 16 : i32
        %mul3A_345 = arith.muli %scan3A_333, %mul3A_344 : i32
        %add3A_346 = vector.broadcast %mul3A_345 : i32 to vector<16xi32>
        %add3A_347 = arith.addi %iota3A, %add3A_346 : vector<16xi32>
        tpu.vector_store_idx %arg17[%add3A_343], %add3A_347 masked %le3A_338 : memref<8192xi32, #tpu.memory_space<vmem>>[vector<16xi32>], vector<16xi32>, vector<16xi1>
        %all_reduce_population_count3A_348 = tpu.all_reduce %le3A_338 {dim = 0 : i64, kind = #tpu.reduction_kind<sum>} : vector<16xi1> -> vector<16xi32>
        %add3A_349 = arith.addi %add3A_331, %all_reduce_population_count3A_348 : vector<16xi32>
        scf.yield %add3A_349 : vector<16xi32>
      }
      %scan3A_129 = arith.constant 512 : i32
      %add3A_130 = arith.constant 1 : i32
      %add3A_131 = vector.broadcast %add3A_130 : i32 to vector<16xi32>
      %add3A_132 = arith.addi %scan3A_128, %add3A_131 : vector<16xi32>
      %reduce_max3A = arith.constant true
      %reduce_max3A_133 = vector.broadcast %reduce_max3A : i1 to vector<16xi1>
      %reduce_max3A_134 = arith.constant -2147483648 : i32
      %reduce_max3A_135 = vector.broadcast %reduce_max3A_134 : i32 to vector<16xi32>
      %reduce_max3A_136 = arith.xori %add3A_132, %reduce_max3A_135 : vector<16xi32>
      %reduce_max3A_137 = tpu.scan <max>, %reduce_max3A_136 masked %reduce_max3A_133 : vector<16xi32>, vector<16xi1> -> vector<16xi32>
      %reduce_max3A_138 = arith.xori %reduce_max3A_137, %reduce_max3A_135 : vector<16xi32>
      %reduce_max3A_139 = vector.extract %reduce_max3A_138[15] : i32 from vector<16xi32>
      %add3A_140 = arith.constant 15 : i32
      %add3A_141 = arith.addi %reduce_max3A_139, %add3A_140 : i32
      %jit3A_142 = arith.constant 16 : i32
      %div3A_143 = arith.divsi %add3A_141, %jit3A_142 : i32
      %sign3A_144 = arith.constant 0 : i32
      %sign3A_145 = arith.cmpi sgt, %add3A_141, %sign3A_144 : i32
      %sign3A_146 = arith.extui %sign3A_145 : i1 to i32
      %sign3A_147 = arith.constant 0 : i32
      %sign3A_148 = arith.cmpi slt, %add3A_141, %sign3A_147 : i32
      %sign3A_149 = arith.extui %sign3A_148 : i1 to i32
      %sign3A_150 = arith.subi %sign3A_146, %sign3A_149 : i32
      %sign3A_151 = arith.constant 0 : i32
      %sign3A_152 = arith.cmpi sgt, %jit3A_142, %sign3A_151 : i32
      %sign3A_153 = arith.extui %sign3A_152 : i1 to i32
      %sign3A_154 = arith.constant 0 : i32
      %sign3A_155 = arith.cmpi slt, %jit3A_142, %sign3A_154 : i32
      %sign3A_156 = arith.extui %sign3A_155 : i1 to i32
      %sign3A_157 = arith.subi %sign3A_153, %sign3A_156 : i32
      %ne3A_158 = arith.cmpi ne, %sign3A_150, %sign3A_157 : i32
      %rem3A_159 = arith.remsi %add3A_141, %jit3A_142 : i32
      %ne3A_160 = arith.constant 0 : i32
      %ne3A_161 = arith.cmpi ne, %rem3A_159, %ne3A_160 : i32
      %and3A_162 = arith.andi %ne3A_158, %ne3A_161 : i1
      %sub3A_163 = arith.constant 1 : i32
      %sub3A_164 = arith.subi %div3A_143, %sub3A_163 : i32
      %select_n3A_165 = arith.select %and3A_162, %sub3A_164, %div3A_143 : i32
      %add3A_166 = arith.constant 0x7F800000 : f32
      %add3A_167 = vector.broadcast %add3A_166 : f32 to vector<16xf32>
      %add3A_168 = arith.addf %broadcast_in_dim3A_37, %add3A_167 : vector<16xf32>
      %add3A_169 = arith.constant 0x7F800000 : f32
      %add3A_170 = vector.broadcast %add3A_169 : f32 to vector<16xf32>
      %add3A_171 = arith.addf %broadcast_in_dim3A_37, %add3A_170 : vector<16xf32>
      %while3A = arith.constant 0 : i32
      %while3A_172 = arith.subi %select_n3A_165, %while3A : i32
      %while3A_173 = arith.addi %while3A, %while3A_172 : i32
      %while3A_174 = arith.constant 1 : i32
      %while3A_175 = arith.divsi %while3A_172, %while3A_174 : i32
      %while3A_176 = arith.muli %while3A_175, %while3A_174 : i32
      %while3A_177 = arith.addi %while3A, %while3A_176 : i32
      %while3A_178 = arith.constant 1 : i32
      %while3A_179:4 = scf.for %while3A_211 = %while3A to %while3A_177 step %while3A_178 iter_args(%while3A_212 = %add3A_168, %while3A_213 = %broadcast_in_dim3A_39, %while3A_214 = %add3A_171, %while3A_215 = %broadcast_in_dim3A_39) -> (vector<16xf32>, vector<16xi32>, vector<16xf32>, vector<16xi32>)  : i32 {
        %mul3A_216 = arith.constant 16 : i32
        %mul3A_217 = arith.muli %while3A_211, %mul3A_216 : i32
        %add3A_218 = vector.broadcast %mul3A_217 : i32 to vector<16xi32>
        %add3A_219 = arith.addi %iota3A, %add3A_218 : vector<16xi32>
        %lt3A_220 = arith.cmpi slt, %add3A_219, %add3A_132 : vector<16xi32>
        %mul3A_221 = arith.constant 16 : i32
        %mul3A_222 = arith.muli %while3A_211, %mul3A_221 : i32
        %get3A = arith.index_cast %mul3A_222 : i32 to index
        %get3A_223 = tpu.vector_load %arg17[%get3A] {strides = array<i32>} : memref<8192xi32, #tpu.memory_space<vmem>>, vector<16xi32>,
        %jit3A_224 = arith.constant 0 : i32
        %broadcast_in_dim3A_225 = vector.broadcast %jit3A_224 : i32 to vector<16xi32>
        %select_n3A_226 = arith.select %lt3A_220, %get3A_223, %broadcast_in_dim3A_225 : vector<16xi1>, vector<16xi32>
        %gather3A_227 = tpu.vector_load_idx %arg16[%select_n3A_226] : memref<8192xf32, #tpu.memory_space<vmem>>[vector<16xi32>], vector<16xf32>,
        %jit3A_228 = arith.constant 0x7F800000 : f32
        %broadcast_in_dim3A_229 = vector.broadcast %jit3A_228 : f32 to vector<16xf32>
        %select_n3A_230 = arith.select %lt3A_220, %gather3A_227, %broadcast_in_dim3A_229 : vector<16xi1>, vector<16xf32>
        %masked_sort3A = arith.constant dense<true> : vector<16xi1>
        %masked_sort3A_231, %masked_sort3A_232, %masked_sort3A_233 = tpu.sort %select_n3A_230, %select_n3A_226 masked %masked_sort3A : (vector<16xf32>, vector<16xi32>, vector<16xi1>) -> (vector<16xi1>, vector<16xf32>, vector<16xi32>)
        %rev3A = arith.constant 15 : i32
        %rev3A_234 = vector.broadcast %rev3A : i32 to vector<16xi32>
        %rev3A_235 = tpu.iota {dimensions = array<i32: 0>} : vector<16xi32>
        %rev3A_236 = arith.subi %rev3A_234, %rev3A_235 : vector<16xi32>
        %rev3A_237 = tpu.dynamic_gather %masked_sort3A_232[%rev3A_236] in [0] : vector<16xf32>, vector<16xi32> -> vector<16xf32>
        %rev3A_238 = arith.constant 15 : i32
        %rev3A_239 = vector.broadcast %rev3A_238 : i32 to vector<16xi32>
        %rev3A_240 = tpu.iota {dimensions = array<i32: 0>} : vector<16xi32>
        %rev3A_241 = arith.subi %rev3A_239, %rev3A_240 : vector<16xi32>
        %rev3A_242 = tpu.dynamic_gather %masked_sort3A_233[%rev3A_241] in [0] : vector<16xi32>, vector<16xi32> -> vector<16xi32>
        %le3A = arith.cmpf ole, %while3A_214, %rev3A_237 : vector<16xf32>
        %select_n3A_243 = arith.select %le3A, %while3A_214, %rev3A_237 : vector<16xi1>, vector<16xf32>
        %select_n3A_244 = arith.select %le3A, %while3A_215, %rev3A_242 : vector<16xi1>, vector<16xi32>
        %masked_sort3A_245 = arith.constant dense<true> : vector<16xi1>
        %masked_sort3A_246, %masked_sort3A_247, %masked_sort3A_248 = tpu.sort %select_n3A_243, %select_n3A_244 masked %masked_sort3A_245 : (vector<16xf32>, vector<16xi32>, vector<16xi1>) -> (vector<16xi1>, vector<16xf32>, vector<16xi32>)
        %rev3A_249 = arith.constant 15 : i32
        %rev3A_250 = vector.broadcast %rev3A_249 : i32 to vector<16xi32>
        %rev3A_251 = tpu.iota {dimensions = array<i32: 0>} : vector<16xi32>
        %rev3A_252 = arith.subi %rev3A_250, %rev3A_251 : vector<16xi32>
        %rev3A_253 = tpu.dynamic_gather %masked_sort3A_247[%rev3A_252] in [0] : vector<16xf32>, vector<16xi32> -> vector<16xf32>
        %rev3A_254 = arith.constant 15 : i32
        %rev3A_255 = vector.broadcast %rev3A_254 : i32 to vector<16xi32>
        %rev3A_256 = tpu.iota {dimensions = array<i32: 0>} : vector<16xi32>
        %rev3A_257 = arith.subi %rev3A_255, %rev3A_256 : vector<16xi32>
        %rev3A_258 = tpu.dynamic_gather %masked_sort3A_248[%rev3A_257] in [0] : vector<16xi32>, vector<16xi32> -> vector<16xi32>
        %le3A_259 = arith.cmpf ole, %while3A_212, %rev3A_253 : vector<16xf32>
        %select_n3A_260 = arith.select %le3A_259, %while3A_212, %rev3A_253 : vector<16xi1>, vector<16xf32>
        %select_n3A_261 = arith.select %le3A_259, %while3A_213, %rev3A_258 : vector<16xi1>, vector<16xi32>
        %select_n3A_262 = arith.select %le3A_259, %rev3A_253, %while3A_212 : vector<16xi1>, vector<16xf32>
        %select_n3A_263 = arith.select %le3A_259, %rev3A_258, %while3A_213 : vector<16xi1>, vector<16xi32>
        %masked_sort3A_264 = arith.constant dense<true> : vector<16xi1>
        %masked_sort3A_265, %masked_sort3A_266, %masked_sort3A_267 = tpu.sort %select_n3A_260, %select_n3A_261 masked %masked_sort3A_264 : (vector<16xf32>, vector<16xi32>, vector<16xi1>) -> (vector<16xi1>, vector<16xf32>, vector<16xi32>)
        %masked_sort3A_268 = arith.constant dense<true> : vector<16xi1>
        %masked_sort3A_269, %masked_sort3A_270, %masked_sort3A_271 = tpu.sort %select_n3A_262, %select_n3A_263 masked %masked_sort3A_268 : (vector<16xf32>, vector<16xi32>, vector<16xi1>) -> (vector<16xi1>, vector<16xf32>, vector<16xi32>)
        scf.yield %masked_sort3A_266, %masked_sort3A_267, %masked_sort3A_270, %masked_sort3A_271 : vector<16xf32>, vector<16xi32>, vector<16xf32>, vector<16xi32>
      }
      %while3A_180 = arith.constant 1 : i32
      %while3A_181:4 = scf.for %while3A_211 = %while3A_177 to %while3A_173 step %while3A_180 iter_args(%while3A_212 = %while3A_179#0, %while3A_213 = %while3A_179#1, %while3A_214 = %while3A_179#2, %while3A_215 = %while3A_179#3) -> (vector<16xf32>, vector<16xi32>, vector<16xf32>, vector<16xi32>)  : i32 {
        %mul3A_216 = arith.constant 16 : i32
        %mul3A_217 = arith.muli %while3A_211, %mul3A_216 : i32
        %add3A_218 = vector.broadcast %mul3A_217 : i32 to vector<16xi32>
        %add3A_219 = arith.addi %iota3A, %add3A_218 : vector<16xi32>
        %lt3A_220 = arith.cmpi slt, %add3A_219, %add3A_132 : vector<16xi32>
        %mul3A_221 = arith.constant 16 : i32
        %mul3A_222 = arith.muli %while3A_211, %mul3A_221 : i32
        %get3A = arith.index_cast %mul3A_222 : i32 to index
        %get3A_223 = tpu.vector_load %arg17[%get3A] {strides = array<i32>} : memref<8192xi32, #tpu.memory_space<vmem>>, vector<16xi32>,
        %jit3A_224 = arith.constant 0 : i32
        %broadcast_in_dim3A_225 = vector.broadcast %jit3A_224 : i32 to vector<16xi32>
        %select_n3A_226 = arith.select %lt3A_220, %get3A_223, %broadcast_in_dim3A_225 : vector<16xi1>, vector<16xi32>
        %gather3A_227 = tpu.vector_load_idx %arg16[%select_n3A_226] : memref<8192xf32, #tpu.memory_space<vmem>>[vector<16xi32>], vector<16xf32>,
        %jit3A_228 = arith.constant 0x7F800000 : f32
        %broadcast_in_dim3A_229 = vector.broadcast %jit3A_228 : f32 to vector<16xf32>
        %select_n3A_230 = arith.select %lt3A_220, %gather3A_227, %broadcast_in_dim3A_229 : vector<16xi1>, vector<16xf32>
        %masked_sort3A = arith.constant dense<true> : vector<16xi1>
        %masked_sort3A_231, %masked_sort3A_232, %masked_sort3A_233 = tpu.sort %select_n3A_230, %select_n3A_226 masked %masked_sort3A : (vector<16xf32>, vector<16xi32>, vector<16xi1>) -> (vector<16xi1>, vector<16xf32>, vector<16xi32>)
        %rev3A = arith.constant 15 : i32
        %rev3A_234 = vector.broadcast %rev3A : i32 to vector<16xi32>
        %rev3A_235 = tpu.iota {dimensions = array<i32: 0>} : vector<16xi32>
        %rev3A_236 = arith.subi %rev3A_234, %rev3A_235 : vector<16xi32>
        %rev3A_237 = tpu.dynamic_gather %masked_sort3A_232[%rev3A_236] in [0] : vector<16xf32>, vector<16xi32> -> vector<16xf32>
        %rev3A_238 = arith.constant 15 : i32
        %rev3A_239 = vector.broadcast %rev3A_238 : i32 to vector<16xi32>
        %rev3A_240 = tpu.iota {dimensions = array<i32: 0>} : vector<16xi32>
        %rev3A_241 = arith.subi %rev3A_239, %rev3A_240 : vector<16xi32>
        %rev3A_242 = tpu.dynamic_gather %masked_sort3A_233[%rev3A_241] in [0] : vector<16xi32>, vector<16xi32> -> vector<16xi32>
        %le3A = arith.cmpf ole, %while3A_214, %rev3A_237 : vector<16xf32>
        %select_n3A_243 = arith.select %le3A, %while3A_214, %rev3A_237 : vector<16xi1>, vector<16xf32>
        %select_n3A_244 = arith.select %le3A, %while3A_215, %rev3A_242 : vector<16xi1>, vector<16xi32>
        %masked_sort3A_245 = arith.constant dense<true> : vector<16xi1>
        %masked_sort3A_246, %masked_sort3A_247, %masked_sort3A_248 = tpu.sort %select_n3A_243, %select_n3A_244 masked %masked_sort3A_245 : (vector<16xf32>, vector<16xi32>, vector<16xi1>) -> (vector<16xi1>, vector<16xf32>, vector<16xi32>)
        %rev3A_249 = arith.constant 15 : i32
        %rev3A_250 = vector.broadcast %rev3A_249 : i32 to vector<16xi32>
        %rev3A_251 = tpu.iota {dimensions = array<i32: 0>} : vector<16xi32>
        %rev3A_252 = arith.subi %rev3A_250, %rev3A_251 : vector<16xi32>
        %rev3A_253 = tpu.dynamic_gather %masked_sort3A_247[%rev3A_252] in [0] : vector<16xf32>, vector<16xi32> -> vector<16xf32>
        %rev3A_254 = arith.constant 15 : i32
        %rev3A_255 = vector.broadcast %rev3A_254 : i32 to vector<16xi32>
        %rev3A_256 = tpu.iota {dimensions = array<i32: 0>} : vector<16xi32>
        %rev3A_257 = arith.subi %rev3A_255, %rev3A_256 : vector<16xi32>
        %rev3A_258 = tpu.dynamic_gather %masked_sort3A_248[%rev3A_257] in [0] : vector<16xi32>, vector<16xi32> -> vector<16xi32>
        %le3A_259 = arith.cmpf ole, %while3A_212, %rev3A_253 : vector<16xf32>
        %select_n3A_260 = arith.select %le3A_259, %while3A_212, %rev3A_253 : vector<16xi1>, vector<16xf32>
        %select_n3A_261 = arith.select %le3A_259, %while3A_213, %rev3A_258 : vector<16xi1>, vector<16xi32>
        %select_n3A_262 = arith.select %le3A_259, %rev3A_253, %while3A_212 : vector<16xi1>, vector<16xf32>
        %select_n3A_263 = arith.select %le3A_259, %rev3A_258, %while3A_213 : vector<16xi1>, vector<16xi32>
        %masked_sort3A_264 = arith.constant dense<true> : vector<16xi1>
        %masked_sort3A_265, %masked_sort3A_266, %masked_sort3A_267 = tpu.sort %select_n3A_260, %select_n3A_261 masked %masked_sort3A_264 : (vector<16xf32>, vector<16xi32>, vector<16xi1>) -> (vector<16xi1>, vector<16xf32>, vector<16xi32>)
        %masked_sort3A_268 = arith.constant dense<true> : vector<16xi1>
        %masked_sort3A_269, %masked_sort3A_270, %masked_sort3A_271 = tpu.sort %select_n3A_262, %select_n3A_263 masked %masked_sort3A_268 : (vector<16xf32>, vector<16xi32>, vector<16xi1>) -> (vector<16xi1>, vector<16xf32>, vector<16xi32>)
        scf.yield %masked_sort3A_266, %masked_sort3A_267, %masked_sort3A_270, %masked_sort3A_271 : vector<16xf32>, vector<16xi32>, vector<16xf32>, vector<16xi32>
      }
      %mul3A_182 = arith.constant 96 : i32
      %mul3A_183 = arith.muli %add3A_59, %mul3A_182 : i32
      %gather3A_184 = tpu.vector_load_idx %arg9[%while3A_181#1] : memref<8192xf32, #tpu.memory_space<vmem>>[vector<16xi32>], vector<16xf32>,
      %swap3A = arith.index_cast %mul3A_183 : i32 to index
      %swap3A_185 = tpu.vector_load %arg21[%swap3A] {strides = array<i32>} : memref<6144xf32, #tpu.memory_space<vmem>>, vector<16xf32>,
      tpu.vector_store %arg21[%swap3A], %gather3A_184 {strides = array<i32>} : memref<6144xf32, #tpu.memory_space<vmem>>, vector<16xf32>,
      %gather3A_186 = tpu.vector_load_idx %arg9[%while3A_181#3] : memref<8192xf32, #tpu.memory_space<vmem>>[vector<16xi32>], vector<16xf32>,
      %add3A_187 = arith.constant 16 : i32
      %add3A_188 = arith.addi %mul3A_183, %add3A_187 : i32
      %swap3A_189 = arith.index_cast %add3A_188 : i32 to index
      %swap3A_190 = tpu.vector_load %arg21[%swap3A_189] {strides = array<i32>} : memref<6144xf32, #tpu.memory_space<vmem>>, vector<16xf32>,
      tpu.vector_store %arg21[%swap3A_189], %gather3A_186 {strides = array<i32>} : memref<6144xf32, #tpu.memory_space<vmem>>, vector<16xf32>,
      %gather3A_191 = tpu.vector_load_idx %arg10[%while3A_181#1] : memref<8192xf32, #tpu.memory_space<vmem>>[vector<16xi32>], vector<16xf32>,
      %add3A_192 = arith.constant 32 : i32
      %add3A_193 = arith.addi %mul3A_183, %add3A_192 : i32
      %swap3A_194 = arith.index_cast %add3A_193 : i32 to index
      %swap3A_195 = tpu.vector_load %arg21[%swap3A_194] {strides = array<i32>} : memref<6144xf32, #tpu.memory_space<vmem>>, vector<16xf32>,
      tpu.vector_store %arg21[%swap3A_194], %gather3A_191 {strides = array<i32>} : memref<6144xf32, #tpu.memory_space<vmem>>, vector<16xf32>,
      %gather3A_196 = tpu.vector_load_idx %arg10[%while3A_181#3] : memref<8192xf32, #tpu.memory_space<vmem>>[vector<16xi32>], vector<16xf32>,
      %add3A_197 = arith.constant 48 : i32
      %add3A_198 = arith.addi %mul3A_183, %add3A_197 : i32
      %swap3A_199 = arith.index_cast %add3A_198 : i32 to index
      %swap3A_200 = tpu.vector_load %arg21[%swap3A_199] {strides = array<i32>} : memref<6144xf32, #tpu.memory_space<vmem>>, vector<16xf32>,
      tpu.vector_store %arg21[%swap3A_199], %gather3A_196 {strides = array<i32>} : memref<6144xf32, #tpu.memory_space<vmem>>, vector<16xf32>,
      %gather3A_201 = tpu.vector_load_idx %arg11[%while3A_181#1] : memref<8192xf32, #tpu.memory_space<vmem>>[vector<16xi32>], vector<16xf32>,
      %add3A_202 = arith.constant 64 : i32
      %add3A_203 = arith.addi %mul3A_183, %add3A_202 : i32
      %swap3A_204 = arith.index_cast %add3A_203 : i32 to index
      %swap3A_205 = tpu.vector_load %arg21[%swap3A_204] {strides = array<i32>} : memref<6144xf32, #tpu.memory_space<vmem>>, vector<16xf32>,
      tpu.vector_store %arg21[%swap3A_204], %gather3A_201 {strides = array<i32>} : memref<6144xf32, #tpu.memory_space<vmem>>, vector<16xf32>,
      %gather3A_206 = tpu.vector_load_idx %arg11[%while3A_181#3] : memref<8192xf32, #tpu.memory_space<vmem>>[vector<16xi32>], vector<16xf32>,
      %add3A_207 = arith.constant 80 : i32
      %add3A_208 = arith.addi %mul3A_183, %add3A_207 : i32
      %swap3A_209 = arith.index_cast %add3A_208 : i32 to index
      %swap3A_210 = tpu.vector_load %arg21[%swap3A_209] {strides = array<i32>} : memref<6144xf32, #tpu.memory_space<vmem>>, vector<16xf32>,
      tpu.vector_store %arg21[%swap3A_209], %gather3A_206 {strides = array<i32>} : memref<6144xf32, #tpu.memory_space<vmem>>, vector<16xf32>,
    }
    %scan3A_50 = arith.constant 64 : i32
    %mul3A_51 = arith.constant 64 : i32
    %mul3A_52 = arith.muli %select_n3A_30, %mul3A_51 : i32
    %mul3A_53 = arith.constant 96 : i32
    %mul3A_54 = arith.muli %mul3A_52, %mul3A_53 : i32
    "tpu.region"() ({
      %run_scoped3A = tpu.sem_alloc : memref<!tpu.dma_semaphore, #tpu.memory_space<semaphore_mem>>
      %dma_start3A = tpu.memref_slice %arg8[%select_n3A, %mul3A_54] : memref<8x24576xf32, #tpu.memory_space<hbm>> -> memref<1x6144xf32, #tpu.memory_space<hbm>>
      %dma_start3A_55 = tpu.memref_squeeze %dma_start3A : memref<1x6144xf32, #tpu.memory_space<hbm>> -> memref<6144xf32, #tpu.memory_space<hbm>>
      %dma_start3A_56 = tpu.memref_slice %arg8[%select_n3A, %mul3A_54] : memref<8x24576xf32, #tpu.memory_space<hbm>> -> memref<1x6144xf32, #tpu.memory_space<hbm>>
      %dma_start3A_57 = tpu.memref_squeeze %dma_start3A_56 : memref<1x6144xf32, #tpu.memory_space<hbm>> -> memref<6144xf32, #tpu.memory_space<hbm>>
      tpu.enqueue_dma source(%arg21 : memref<6144xf32, #tpu.memory_space<vmem>>) target(%dma_start3A_57 : memref<6144xf32, #tpu.memory_space<hbm>>) target_semaphore(%run_scoped3A : memref<!tpu.dma_semaphore, #tpu.memory_space<semaphore_mem>>)
      %dma_wait3A = tpu.memref_slice %arg8[%select_n3A, %mul3A_54] : memref<8x24576xf32, #tpu.memory_space<hbm>> -> memref<1x6144xf32, #tpu.memory_space<hbm>>
      %dma_wait3A_58 = tpu.memref_squeeze %dma_wait3A : memref<1x6144xf32, #tpu.memory_space<hbm>> -> memref<6144xf32, #tpu.memory_space<hbm>>
      %dma_wait3A_59 = tpu.memref_slice %arg8[%select_n3A, %mul3A_54] : memref<8x24576xf32, #tpu.memory_space<hbm>> -> memref<1x6144xf32, #tpu.memory_space<hbm>>
      %dma_wait3A_60 = tpu.memref_squeeze %dma_wait3A_59 : memref<1x6144xf32, #tpu.memory_space<hbm>> -> memref<6144xf32, #tpu.memory_space<hbm>>
      tpu.wait_dma2 semaphore(%run_scoped3A : memref<!tpu.dma_semaphore, #tpu.memory_space<semaphore_mem>>) src(%arg21 : memref<6144xf32, #tpu.memory_space<vmem>>) dst(%dma_wait3A_60 : memref<6144xf32, #tpu.memory_space<hbm>>)
      tpu.yield
    }) : () -> ()
    return
  }
}

module attributes {stable_mosaic.version = 14 : i64} {
  func.func @_fps_body(%arg0: memref<8x8192xf32, #tpu.memory_space<vmem>>, %arg1: memref<8x8192xf32, #tpu.memory_space<vmem>>, %arg2: memref<8x8192xf32, #tpu.memory_space<vmem>>, %arg3: memref<8x256xf32, #tpu.memory_space<vmem>>, %arg4: memref<8x256xf32, #tpu.memory_space<vmem>>, %arg5: memref<8x256xf32, #tpu.memory_space<vmem>>) attributes {dimension_semantics = [], scalar_prefetch = 0 : i64, scratch_operands = 0 : i64, tpu.core_type = #tpu.core_type<tc>} {
    %iota3A = tpu.iota {dimensions = array<i32: 1>} : vector<8x8192xi32>
    %iota3A_0 = tpu.iota {dimensions = array<i32: 1>} : vector<8x256xi32>
    %get3A = arith.constant 0 : index
    %get3A_1 = arith.constant 0 : index
    %get3A_2 = vector.load %arg0[%get3A, %get3A_1] : memref<8x8192xf32, #tpu.memory_space<vmem>>, vector<8x8192xf32>
    %get3A_3 = arith.constant 0 : index
    %get3A_4 = arith.constant 0 : index
    %get3A_5 = vector.load %arg1[%get3A_3, %get3A_4] : memref<8x8192xf32, #tpu.memory_space<vmem>>, vector<8x8192xf32>
    %get3A_6 = arith.constant 0 : index
    %get3A_7 = arith.constant 0 : index
    %get3A_8 = vector.load %arg2[%get3A_6, %get3A_7] : memref<8x8192xf32, #tpu.memory_space<vmem>>, vector<8x8192xf32>
    %slice3A = vector.extract_strided_slice %get3A_2 {offsets = [0, 0], sizes = [8, 1], strides = [1, 1]} : vector<8x8192xf32> to vector<8x1xf32>
    %slice3A_9 = vector.extract_strided_slice %get3A_5 {offsets = [0, 0], sizes = [8, 1], strides = [1, 1]} : vector<8x8192xf32> to vector<8x1xf32>
    %slice3A_10 = vector.extract_strided_slice %get3A_8 {offsets = [0, 0], sizes = [8, 1], strides = [1, 1]} : vector<8x8192xf32> to vector<8x1xf32>
    %eq3A = arith.constant 0 : i32
    %eq3A_11 = vector.broadcast %eq3A : i32 to vector<8x256xi32>
    %eq3A_12 = arith.cmpi eq, %iota3A_0, %eq3A_11 : vector<8x256xi32>
    %jit3A = arith.constant 0.000000e+00 : f32
    %broadcast_in_dim3A = vector.shape_cast %slice3A : vector<8x1xf32> to vector<8x1xf32>
    %broadcast_in_dim3A_13 = vector.broadcast %broadcast_in_dim3A : vector<8x1xf32> to vector<8x256xf32>
    %broadcast_in_dim3A_14 = vector.broadcast %jit3A : f32 to vector<8x256xf32>
    %select_n3A = arith.select %eq3A_12, %broadcast_in_dim3A_13, %broadcast_in_dim3A_14 : vector<8x256xi1>, vector<8x256xf32>
    %swap3A = arith.constant 0 : index
    %swap3A_15 = arith.constant 0 : index
    %swap3A_16 = vector.load %arg3[%swap3A, %swap3A_15] : memref<8x256xf32, #tpu.memory_space<vmem>>, vector<8x256xf32>
    tpu.vector_store %arg3[%swap3A, %swap3A_15], %select_n3A {strides = array<i32>} : memref<8x256xf32, #tpu.memory_space<vmem>>, vector<8x256xf32>,
    %eq3A_17 = arith.constant 0 : i32
    %eq3A_18 = vector.broadcast %eq3A_17 : i32 to vector<8x256xi32>
    %eq3A_19 = arith.cmpi eq, %iota3A_0, %eq3A_18 : vector<8x256xi32>
    %jit3A_20 = arith.constant 0.000000e+00 : f32
    %broadcast_in_dim3A_21 = vector.shape_cast %slice3A_9 : vector<8x1xf32> to vector<8x1xf32>
    %broadcast_in_dim3A_22 = vector.broadcast %broadcast_in_dim3A_21 : vector<8x1xf32> to vector<8x256xf32>
    %broadcast_in_dim3A_23 = vector.broadcast %jit3A_20 : f32 to vector<8x256xf32>
    %select_n3A_24 = arith.select %eq3A_19, %broadcast_in_dim3A_22, %broadcast_in_dim3A_23 : vector<8x256xi1>, vector<8x256xf32>
    %swap3A_25 = arith.constant 0 : index
    %swap3A_26 = arith.constant 0 : index
    %swap3A_27 = vector.load %arg4[%swap3A_25, %swap3A_26] : memref<8x256xf32, #tpu.memory_space<vmem>>, vector<8x256xf32>
    tpu.vector_store %arg4[%swap3A_25, %swap3A_26], %select_n3A_24 {strides = array<i32>} : memref<8x256xf32, #tpu.memory_space<vmem>>, vector<8x256xf32>,
    %eq3A_28 = arith.constant 0 : i32
    %eq3A_29 = vector.broadcast %eq3A_28 : i32 to vector<8x256xi32>
    %eq3A_30 = arith.cmpi eq, %iota3A_0, %eq3A_29 : vector<8x256xi32>
    %jit3A_31 = arith.constant 0.000000e+00 : f32
    %broadcast_in_dim3A_32 = vector.shape_cast %slice3A_10 : vector<8x1xf32> to vector<8x1xf32>
    %broadcast_in_dim3A_33 = vector.broadcast %broadcast_in_dim3A_32 : vector<8x1xf32> to vector<8x256xf32>
    %broadcast_in_dim3A_34 = vector.broadcast %jit3A_31 : f32 to vector<8x256xf32>
    %select_n3A_35 = arith.select %eq3A_30, %broadcast_in_dim3A_33, %broadcast_in_dim3A_34 : vector<8x256xi1>, vector<8x256xf32>
    %swap3A_36 = arith.constant 0 : index
    %swap3A_37 = arith.constant 0 : index
    %swap3A_38 = vector.load %arg5[%swap3A_36, %swap3A_37] : memref<8x256xf32, #tpu.memory_space<vmem>>, vector<8x256xf32>
    tpu.vector_store %arg5[%swap3A_36, %swap3A_37], %select_n3A_35 {strides = array<i32>} : memref<8x256xf32, #tpu.memory_space<vmem>>, vector<8x256xf32>,
    %broadcast_in_dim3A_39 = arith.constant 1.000000e+10 : f32
    %broadcast_in_dim3A_40 = vector.broadcast %broadcast_in_dim3A_39 : f32 to vector<8x8192xf32>
    %scan3A = arith.constant 1 : i32
    %scan3A_41 = arith.constant 255 : i32
    %scan3A_42 = arith.addi %scan3A, %scan3A_41 : i32
    %scan3A_43 = arith.constant 1 : i32
    %scan3A_44:4 = scf.for %scan3A_46 = %scan3A to %scan3A_42 step %scan3A_43 iter_args(%scan3A_47 = %slice3A, %scan3A_48 = %slice3A_9, %scan3A_49 = %slice3A_10, %scan3A_50 = %broadcast_in_dim3A_40) -> (vector<8x1xf32>, vector<8x1xf32>, vector<8x1xf32>, vector<8x8192xf32>)  : i32 {
      %sub3A = vector.broadcast %scan3A_47 : vector<8x1xf32> to vector<8x8192xf32>
      %sub3A_51 = arith.subf %get3A_2, %sub3A : vector<8x8192xf32>
      %sub3A_52 = vector.broadcast %scan3A_48 : vector<8x1xf32> to vector<8x8192xf32>
      %sub3A_53 = arith.subf %get3A_5, %sub3A_52 : vector<8x8192xf32>
      %sub3A_54 = vector.broadcast %scan3A_49 : vector<8x1xf32> to vector<8x8192xf32>
      %sub3A_55 = arith.subf %get3A_8, %sub3A_54 : vector<8x8192xf32>
      %mul3A = arith.mulf %sub3A_51, %sub3A_51 : vector<8x8192xf32>
      %mul3A_56 = arith.mulf %sub3A_53, %sub3A_53 : vector<8x8192xf32>
      %add3A = arith.addf %mul3A, %mul3A_56 : vector<8x8192xf32>
      %mul3A_57 = arith.mulf %sub3A_55, %sub3A_55 : vector<8x8192xf32>
      %add3A_58 = arith.addf %add3A, %mul3A_57 : vector<8x8192xf32>
      %min3A = arith.minimumf %scan3A_50, %add3A_58 : vector<8x8192xf32>
      %reduce_max3A = arith.constant dense<0xFF800000> : vector<8xf32>
      %reduce_max3A_59 = vector.multi_reduction <maximumf>, %min3A, %reduce_max3A [1] : vector<8x8192xf32> to vector<8xf32>
      %broadcast_in_dim3A_60 = vector.shape_cast %reduce_max3A_59 : vector<8xf32> to vector<8x1xf32>
      %eq3A_61 = vector.broadcast %broadcast_in_dim3A_60 : vector<8x1xf32> to vector<8x8192xf32>
      %eq3A_62 = arith.cmpf oeq, %min3A, %eq3A_61 : vector<8x8192xf32>
      %jit3A_63 = arith.constant 8192 : i32
      %broadcast_in_dim3A_64 = vector.broadcast %jit3A_63 : i32 to vector<8x8192xi32>
      %select_n3A_65 = arith.select %eq3A_62, %iota3A, %broadcast_in_dim3A_64 : vector<8x8192xi1>, vector<8x8192xi32>
      %reduce_min3A = arith.constant dense<2147483647> : vector<8xi32>
      %reduce_min3A_66 = vector.multi_reduction <minsi>, %select_n3A_65, %reduce_min3A [1] : vector<8x8192xi32> to vector<8xi32>
      %broadcast_in_dim3A_67 = vector.shape_cast %reduce_min3A_66 : vector<8xi32> to vector<8x1xi32>
      %eq3A_68 = vector.broadcast %broadcast_in_dim3A_67 : vector<8x1xi32> to vector<8x8192xi32>
      %eq3A_69 = arith.cmpi eq, %iota3A, %eq3A_68 : vector<8x8192xi32>
      %jit3A_70 = arith.constant 0.000000e+00 : f32
      %broadcast_in_dim3A_71 = vector.broadcast %jit3A_70 : f32 to vector<8x8192xf32>
      %select_n3A_72 = arith.select %eq3A_69, %get3A_2, %broadcast_in_dim3A_71 : vector<8x8192xi1>, vector<8x8192xf32>
      %reduce_sum3A = arith.constant dense<0.000000e+00> : vector<8xf32>
      %reduce_sum3A_73 = vector.multi_reduction <add>, %select_n3A_72, %reduce_sum3A [1] : vector<8x8192xf32> to vector<8xf32>
      %broadcast_in_dim3A_74 = vector.shape_cast %reduce_sum3A_73 : vector<8xf32> to vector<8x1xf32>
      %jit3A_75 = arith.constant 0.000000e+00 : f32
      %broadcast_in_dim3A_76 = vector.broadcast %jit3A_75 : f32 to vector<8x8192xf32>
      %select_n3A_77 = arith.select %eq3A_69, %get3A_5, %broadcast_in_dim3A_76 : vector<8x8192xi1>, vector<8x8192xf32>
      %reduce_sum3A_78 = arith.constant dense<0.000000e+00> : vector<8xf32>
      %reduce_sum3A_79 = vector.multi_reduction <add>, %select_n3A_77, %reduce_sum3A_78 [1] : vector<8x8192xf32> to vector<8xf32>
      %broadcast_in_dim3A_80 = vector.shape_cast %reduce_sum3A_79 : vector<8xf32> to vector<8x1xf32>
      %jit3A_81 = arith.constant 0.000000e+00 : f32
      %broadcast_in_dim3A_82 = vector.broadcast %jit3A_81 : f32 to vector<8x8192xf32>
      %select_n3A_83 = arith.select %eq3A_69, %get3A_8, %broadcast_in_dim3A_82 : vector<8x8192xi1>, vector<8x8192xf32>
      %reduce_sum3A_84 = arith.constant dense<0.000000e+00> : vector<8xf32>
      %reduce_sum3A_85 = vector.multi_reduction <add>, %select_n3A_83, %reduce_sum3A_84 [1] : vector<8x8192xf32> to vector<8xf32>
      %broadcast_in_dim3A_86 = vector.shape_cast %reduce_sum3A_85 : vector<8xf32> to vector<8x1xf32>
      %eq3A_87 = vector.broadcast %scan3A_46 : i32 to vector<8x256xi32>
      %eq3A_88 = arith.cmpi eq, %iota3A_0, %eq3A_87 : vector<8x256xi32>
      %get3A_89 = arith.constant 0 : index
      %get3A_90 = arith.constant 0 : index
      %get3A_91 = vector.load %arg3[%get3A_89, %get3A_90] : memref<8x256xf32, #tpu.memory_space<vmem>>, vector<8x256xf32>
      %broadcast_in_dim3A_92 = vector.shape_cast %broadcast_in_dim3A_74 : vector<8x1xf32> to vector<8x1xf32>
      %broadcast_in_dim3A_93 = vector.broadcast %broadcast_in_dim3A_92 : vector<8x1xf32> to vector<8x256xf32>
      %select_n3A_94 = arith.select %eq3A_88, %broadcast_in_dim3A_93, %get3A_91 : vector<8x256xi1>, vector<8x256xf32>
      %swap3A_95 = arith.constant 0 : index
      %swap3A_96 = arith.constant 0 : index
      %swap3A_97 = vector.load %arg3[%swap3A_95, %swap3A_96] : memref<8x256xf32, #tpu.memory_space<vmem>>, vector<8x256xf32>
      tpu.vector_store %arg3[%swap3A_95, %swap3A_96], %select_n3A_94 {strides = array<i32>} : memref<8x256xf32, #tpu.memory_space<vmem>>, vector<8x256xf32>,
      %eq3A_98 = vector.broadcast %scan3A_46 : i32 to vector<8x256xi32>
      %eq3A_99 = arith.cmpi eq, %iota3A_0, %eq3A_98 : vector<8x256xi32>
      %get3A_100 = arith.constant 0 : index
      %get3A_101 = arith.constant 0 : index
      %get3A_102 = vector.load %arg4[%get3A_100, %get3A_101] : memref<8x256xf32, #tpu.memory_space<vmem>>, vector<8x256xf32>
      %broadcast_in_dim3A_103 = vector.shape_cast %broadcast_in_dim3A_80 : vector<8x1xf32> to vector<8x1xf32>
      %broadcast_in_dim3A_104 = vector.broadcast %broadcast_in_dim3A_103 : vector<8x1xf32> to vector<8x256xf32>
      %select_n3A_105 = arith.select %eq3A_99, %broadcast_in_dim3A_104, %get3A_102 : vector<8x256xi1>, vector<8x256xf32>
      %swap3A_106 = arith.constant 0 : index
      %swap3A_107 = arith.constant 0 : index
      %swap3A_108 = vector.load %arg4[%swap3A_106, %swap3A_107] : memref<8x256xf32, #tpu.memory_space<vmem>>, vector<8x256xf32>
      tpu.vector_store %arg4[%swap3A_106, %swap3A_107], %select_n3A_105 {strides = array<i32>} : memref<8x256xf32, #tpu.memory_space<vmem>>, vector<8x256xf32>,
      %eq3A_109 = vector.broadcast %scan3A_46 : i32 to vector<8x256xi32>
      %eq3A_110 = arith.cmpi eq, %iota3A_0, %eq3A_109 : vector<8x256xi32>
      %get3A_111 = arith.constant 0 : index
      %get3A_112 = arith.constant 0 : index
      %get3A_113 = vector.load %arg5[%get3A_111, %get3A_112] : memref<8x256xf32, #tpu.memory_space<vmem>>, vector<8x256xf32>
      %broadcast_in_dim3A_114 = vector.shape_cast %broadcast_in_dim3A_86 : vector<8x1xf32> to vector<8x1xf32>
      %broadcast_in_dim3A_115 = vector.broadcast %broadcast_in_dim3A_114 : vector<8x1xf32> to vector<8x256xf32>
      %select_n3A_116 = arith.select %eq3A_110, %broadcast_in_dim3A_115, %get3A_113 : vector<8x256xi1>, vector<8x256xf32>
      %swap3A_117 = arith.constant 0 : index
      %swap3A_118 = arith.constant 0 : index
      %swap3A_119 = vector.load %arg5[%swap3A_117, %swap3A_118] : memref<8x256xf32, #tpu.memory_space<vmem>>, vector<8x256xf32>
      tpu.vector_store %arg5[%swap3A_117, %swap3A_118], %select_n3A_116 {strides = array<i32>} : memref<8x256xf32, #tpu.memory_space<vmem>>, vector<8x256xf32>,
      scf.yield %broadcast_in_dim3A_74, %broadcast_in_dim3A_80, %broadcast_in_dim3A_86, %min3A : vector<8x1xf32>, vector<8x1xf32>, vector<8x1xf32>, vector<8x8192xf32>
    }
    %scan3A_45 = arith.constant 255 : i32
    return
  }
}

</mosaic_0001>

<sc_bundles>
// kernel: kernel.4.cloned.1.call-start
scs
__scs_entry_jumppad:
0x0: {  	(pc) =	sbr.rel $0x88, $3  }
0x1: {  	(tag) =	ssettag $0x0;
	lr =	simm.s32 $0x1  }
0x2: {  	[smem:$0x3F9F] =	sst lr;
	_ =	strace $0xD0000000  }
0x3: {  	_ = 	snop  }
0x4: {  	_ = 	snop  }
0x5: {  	_ = 	snop  }
0x6: {  	_ = 	snop  }
0x7: {  	_ = 	snop  }
__scs_overlays_trampoline_lowered:
0x8: {  	[smem:$0x3FAE] =	sst s0  }
0x9: {  	[smem:$0x3FAF] =	sst s1  }
0xa: {  	[smem:$0x3FB0] =	sst s2  }
0xb: {  	[smem:$0x3FB1] =	sst s3  }
0xc: {  	[smem:$0x3FB2] =	sst s4  }
0xd: {  	[smem:$0x3FB3] =	sst s5  }
0xe: {  	[smem:$0x3FB4] =	sst s6  }
0xf: {  	[smem:$0x3FB5] =	sst s7  }
0x10: {  	[smem:$0x3FB6] =	sst s8  }
0x11: {  	[smem:$0x3FB7] =	sst s9;
	s0 =	simm.s32 @!p0 $0x0  }
0x12: {  	s1 =	sld [smem:$0x3F9D];
	s0 =	simm.s32 @p0 $0x1  }
0x13: {  	[smem:$0x3FB8] =	sst s0;
	s0 =	simm.s32 @!p1 $0x0  }
0x14: {  	s2 =	sld [smem:$0x3F9C];
	s0 =	simm.s32 @p1 $0x1  }
0x15: {  	[smem:$0x3FB9] =	sst s0;
	s0 =	simm.s32 @!p2 $0x0  }
0x16: {  	s3 =	sld [smem:$0x3FDB];
	s0 =	simm.s32 @p2 $0x1  }
0x17: {  	s4 =	simm.s32 $0x1BF5;
	[smem:$0x3FBB] =	sst s0  }
0x18: {  	s0 =	sld [smem:$0x3F9E];
	_ =	swait.ge [sflag:s4], $0x0  }
0x19: {  	s7 =	sld [smem:$0x3F9F]  }
0x1a: {  	s8 =	sadd.s32 $0xFFFFE003, lr  }
0x1b: {  	s9 =	sadd.s32 $0xFFFFFEF7, lr;
	s5 =	simm.s32 $0xFFFFFFFF;
	p2 =	slt.u32 s8, $0xFFFFF086  }
0x1c: {  	p1 =	slt.u32 s9, $0xF7A;
	s5 =	simm.s32 @!p2 $0x0  }
0x1d: {  	s5 =	simm.s32 @p1 $0x1;
	p0 =	seq.s32 s7, s2  }
0x1e: {  	s7 =	smul.u32 @!p0 $0xF7A, s2;
	p2 =	seq.s32 @!p0 s5, $0x0  }
0x1f: {  	s9 =	smul.u32 $0xF7A, s1;
	s8 =	simm.s32 @!p0 $0x1BF5;
	p2 =	por !p2, p0  }
0x20: {  	[sflag:s8] =	ssyncset.s32 @!p0 $0xFFFFF086;
	s6 =	sadd.s32 @!p0 s3, s7;
	s7 =	simm.s32 @!p0 $0x108  }
0x21: {  	s3 =	sadd.s32 s3, s9;
	s6 =	sadd.s32 @!p0 $0x88, s6;
	s7 =	simm.s32 @p2 $0x1082  }
0x22: {  	[simem:s7], [sflag:s8] =	dma.local @!p0 [hbm:s6], $0xF7A  }
0x23: {  	s9 =	sor.u32 $0xD0000000, s2;
	s6 =	simm.s32 $0x108;
	_ =	swait.ge @!p0 [sflag:s8], $0x0  }
0x24: {  	s3 =	sadd.s32 $0x88, s3;
	s6 =	simm.s32 @!p1 $0x1082;
	[sflag:s4] =	ssyncset.s32 $0xFFFFF086  }
0x25: {  	[simem:s6], [sflag:s4] =	dma.local [hbm:s3], $0xF7A  }
0x26: {  	[smem:$0x3F9F] =	sst s1;
	(tag) =	ssettag s2;
	_ =	strace s9  }
0x27: {  	s1 =	sld [smem:$0x3FAF]  }
0x28: {  	s2 =	sld [smem:$0x3FB0]  }
0x29: {  	s4 =	sld [smem:$0x3FB2]  }
0x2a: {  	p0 =	seq.s32 s5, $0x0;
	s5 =	sld [smem:$0x3FB3]  }
0x2b: {  	s6 =	sld [smem:$0x3FB4]  }
0x2c: {  	s7 =	sld [smem:$0x3FB5]  }
0x2d: {  	s3 =	simm.s32 $0x108;
	s8 =	sld [smem:$0x3FB6]  }
0x2e: {  	s3 =	simm.s32 @!p0 $0x1082;
	s9 =	sld [smem:$0x3FB7]  }
0x2f: {  	lr =	sadd.s32 s0, s3;
	s0 =	sld [smem:$0x3FAE]  }
0x30: {  	s3 =	sld [smem:$0x3FB1]  }
0x31: {  	[smem:$0x3FBA] =	sst s10  }
0x32: {  	s10 =	sld [smem:$0x3FB8];
	_ =	sdelay $0x3  }
0x33: {  	p0 =	seq.s32 s10, $0x1;
	s10 =	sld [smem:$0x3FBA];
	_ =	sdelay $0x3  }
0x34: {  	[smem:$0x3FBA] =	sst s10  }
0x35: {  	s10 =	sld [smem:$0x3FB9];
	_ =	sdelay $0x3  }
0x36: {  	p1 =	seq.s32 s10, $0x1;
	s10 =	sld [smem:$0x3FBA];
	_ =	sdelay $0x3  }
0x37: {  	[smem:$0x3FBA] =	sst s10  }
0x38: {  	s10 =	sld [smem:$0x3FBB]  }
0x39: {  	_ = 	snop;
	(pc) =	sbr.ind lr, $3  }
0x3a: {  	_ = 	snop  }
0x3b: {  	_ = 	snop  }
0x3c: {  	p2 =	seq.s32 s10, $0x1;
	s10 =	sld [smem:$0x3FBA]  }
0x3d: {  	_ =	shalt  }
0x3e: {  	_ =	shalt  }
0x3f: {  	_ =	shalt  }
0x40: {  	_ =	shalt  }
0x41: {  	_ =	shalt  }
0x42: {  	_ =	shalt  }
0x43: {  	_ =	shalt  }
0x44: {  	_ =	shalt  }
0x45: {  	_ =	shalt  }
0x46: {  	_ =	shalt  }
0x47: {  	_ =	shalt  }
0x48: {  	_ =	shalt  }
0x49: {  	_ =	shalt  }
0x4a: {  	_ =	shalt  }
0x4b: {  	_ =	shalt  }
0x4c: {  	_ =	shalt  }
0x4d: {  	_ =	shalt  }
0x4e: {  	_ =	shalt  }
0x4f: {  	_ =	shalt  }
0x50: {  	_ =	shalt  }
0x51: {  	_ =	shalt  }
0x52: {  	_ =	shalt  }
0x53: {  	_ =	shalt  }
0x54: {  	_ =	shalt  }
0x55: {  	_ =	shalt  }
0x56: {  	_ =	shalt  }
0x57: {  	_ =	shalt  }
0x58: {  	_ =	shalt  }
0x59: {  	_ =	shalt  }
0x5a: {  	_ =	shalt  }
0x5b: {  	_ =	shalt  }
0x5c: {  	_ =	shalt  }
0x5d: {  	_ =	shalt  }
0x5e: {  	_ =	shalt  }
0x5f: {  	_ =	shalt  }
0x60: {  	_ =	shalt  }
0x61: {  	_ =	shalt  }
0x62: {  	_ =	shalt  }
0x63: {  	_ =	shalt  }
0x64: {  	_ =	shalt  }
0x65: {  	_ =	shalt  }
0x66: {  	_ =	shalt  }
0x67: {  	_ =	shalt  }
0x68: {  	_ =	shalt  }
0x69: {  	_ =	shalt  }
0x6a: {  	_ =	shalt  }
0x6b: {  	_ =	shalt  }
0x6c: {  	_ =	shalt  }
0x6d: {  	_ =	shalt  }
0x6e: {  	_ =	shalt  }
0x6f: {  	_ =	shalt  }
0x70: {  	_ =	shalt  }
0x71: {  	_ =	shalt  }
0x72: {  	_ =	shalt  }
0x73: {  	_ =	shalt  }
0x74: {  	_ =	shalt  }
0x75: {  	_ =	shalt  }
0x76: {  	_ =	shalt  }
0x77: {  	_ =	shalt  }
0x78: {  	_ =	shalt  }
0x79: {  	_ =	shalt  }
0x7a: {  	_ =	shalt  }
0x7b: {  	_ =	shalt  }
0x7c: {  	_ =	shalt  }
0x7d: {  	_ =	shalt  }
0x7e: {  	_ =	shalt  }
0x7f: {  	_ =	shalt  }
0x80: {  	_ =	shalt  }
0x81: {  	_ =	shalt  }
0x82: {  	_ =	shalt  }
0x83: {  	_ =	shalt  }
0x84: {  	_ =	shalt  }
0x85: {  	_ =	shalt  }
0x86: {  	_ =	shalt  }
0x87: {  	_ =	shalt  }
.Lfunc_end0:
.L_simem_size_0:
called_computation_lowered:
.L_overlay_start_0:
0x88: {  	s2 =	sld [smem:$0x3FD9]  }
0x89: {  	s3 =	sld [smem:$0x3FFE];
	_ =	sdelay $0x1  }
0x8a: {  	s1 =	srdreg.scid  }
0x8b: {  	s0 =	sand.u32 $0x1, s1  }
0x8c: {  	s14 =	sshll.u32 s0, $0xA;
	s2 =	sadd.s32 s3, s2  }
0x8d: {  	s2 =	sadd.s32 s2, s14  }
0x8e: {  	[smem:$0x3FC6] =	sst s2  }
0x8f: {  	_ = 	snop  }
0x90: {  	s2 =	sld [smem:$0x3FD0];
	_ =	sdelay $0x2  }
0x91: {  	s15 =	simm.s32 $0xA;
	s4 =	simm.s32 $0x10  }
0x92: {  	[smem:s4], [sflag:s15] =	dma.local [hbm:s2], $0x1  }
0x93: {  	_ =	swait.eq [sflag:s15], $0x1  }
0x94: {  	[sflag:s15] =	ssyncset.done $0x0  }
0x95: {  	[sflag:s15] =	ssyncadd.s32 $0xFFFFFFFF  }
0x96: {  	s16 =	sld [smem:$0x10];
	(tm) =	ssettm $0x1  }
0x97: {  	s17 =	sld [smem:$0x3FFB];
	_ =	sdelay $0x3  }
0x98: {  	_ =	strace s17  }
0x99: {  	s3 =	sld [smem:$0x3FFC];
	_ =	sdelay $0x3  }
0x9a: {  	_ =	strace s3  }
0x9b: {  	s3 =	sld [smem:$0x3FFD];
	_ =	sdelay $0x3  }
0x9c: {  	_ =	strace s3  }
0x9d: {  	_ =	strace $0x8FFFFFFF  }
0x9e: {  	s18 =	sld [smem:$0x3FDB];
	_ =	sdelay $0x1  }
0x9f: {  	s19 =	simm.s32 $_scs_section_size  }
0xa0: {  	s5 =	simm.s32 $_size__tile_overlayer_lowered;
	s6 =	simm.s32 $_tile_overlayer_lowered  }
0xa1: {  	s22 =	simm.s32 $0x1BFF;
	s21 =	sshll.u32 s6, $0x1;
	s3 =	sadd.s32 s19, s18  }
0xa2: {  	s7 =	simm.s32 $0x0;
	s20 =	sshll.u32 s5, $0x1;
	s5 =	sadd.s32 s21, s3  }
0xa3: {  	[timem:s7], [sflag:s22] =	dma.local [hbm:s5], s20  }
0xa4: {  	_ =	swait.ge [sflag:s22], s20  }
0xa5: {  	s4 =	ssub.s32 $0x0, s20;
	[sflag:s22] =	ssyncset.done $0x0  }
0xa6: {  	[sflag:s22] =	ssyncadd.s32 s4;
	_ =	sdelay $0x1  }
0xa7: {  	s23 =	simm.s32 $0x1B8B  }
0xa8: {  	_ =	swait.ge [sflag:s23], $0x1  }
0xa9: {  	[sflag:s23] =	ssyncset.done $0x0  }
0xaa: {  	s25 =	simm.s32 $0x1B8E;
	s24 =	sld [smem:$0x3FFE];
	[sflag:s23] =	ssyncadd.s32 $0xFFFFFFFF  }
0xab: {  	s26 =	simm.s32 $execute0_lowered;
	[smem:$0x3FD2] =	sst s25  }
0xac: {  	s5 =	sshll.u32 s26, $0x1;
	_ =	strace $0x80000046;
	[dreg:$0x1] =	wrdreg $0xFFFFFFFF  }
0xad: {  	s28 =	simm.s32 $_size_execute0_lowered;
	s3 =	sadd.s32 s3, s5;
	[dreg:$0x0] =	wrdreg $0x0  }
0xae: {  	s5 =	sshll.u32 s28, $0x1;
	[dreg:$0x2] =	wrdreg s3  }
0xaf: {  	[dreg:$0x3] =	wrdreg s5  }
0xb0: {  	[dreg:$0x4] =	wrdreg $0xC0  }
0xb1: {  	_ =	task [dreg:s7], $0x5FFFF  }
0xb2: {  	[dreg:$0x1] =	wrdreg $0xFFFFFFFF  }
0xb3: {  	[dreg:$0x0] =	wrdreg $0x60  }
0xb4: {  	[dreg:$0x2] =	wrdreg s24  }
0xb5: {  	[dreg:$0x3] =	wrdreg s16  }
0xb6: {  	[dreg:$0x4] =	wrdreg $0x9  }
0xb7: {  	_ =	task.clear_ibuf [dreg:s7], $0x5FFFF;
	_ =	strace $0x90000046  }
0xb8: {  	s29 =	simm.s32 $0x9;
	_ =	strace $0x80000048  }
0xb9: {  	_ =	swait.ge [sflag:s29], $0x1  }
0xba: {  	[sflag:s29] =	ssyncadd.s32 $0xFFFFFFFF  }
0xbb: {  	_ =	strace $0x90000048  }
0xbc: {  	_ =	sfence  }
0xbd: {  	s30 =	sld [smem:$0x0];
	_ =	sdelay $0x2  }
0xbe: {  	s31 =	sshll.u32 s1, $0xD;
	s1 =	sshrl.u32 s1, $0x2  }
0xbf: {  	s3 =	sand.u32 $0x4000, s31;
	s1 =	sadd.s32 s1, s30  }
0xc0: {  	s0 =	sor.u32 s3, s0;
	s1 =	sshll.u32 s1, $0x11  }
0xc1: {  	s0 =	sor.u32 s1, s0  }
0xc2: {  	s0 =	sadd.s32 $0x8F2B, s0  }
0xc3: {  	[sflag:s0] =	ssyncadd.remote.s32 $0x1  }
0xc4: {  	_ =	sfence.sel $0xFFFF  }
0xc5: {  	[dreg:$0x0] =	wrdreg $0xFFFFFFFF;
	(pc) =	sbr.abs _section_cstart, $3  }
0xc6: {  	[dreg:$0x1] =	wrdreg $0xFFFFFFFF  }
0xc7: {  	_ =	task.clear_ibuf [dreg:s7], $0x2FFFF;
	_ =	strace $0x9FFFFFFF  }
0xc8: {  	(tm) =	ssettm $0x7FFFFFFF  }
0xc9: {  	_ =	shalt  }
tec
execute0_lowered:
.L_overlay_start_1:
0x0: {  	(tag) =	ssettag $0x1  }
0x1: {  	s3 =	rddreg [dreg:$0x0]  }
0x2: {  	s9 =	rddreg [dreg:$0x1]  }
0x3: {  	s0 =	rddreg [dreg:$0x2];
	s2 =	simm.s32 $0x0;
	s1 =	stileid.u32  }
0x4: {  	s26 =	srdreg.scid;
	s13 =	simm.s32 $0x1;
	s14 =	simm.s32 $0x2000  }
0x5: {  	s15 =	simm.s32 $0x4000;
	s16 =	simm.s32 $0x12000;
	s17 =	simm.s32 $0x12080  }
0x6: {  	s18 =	simm.s32 $0x12100;
	s19 =	simm.s32 $0x10000;
	s20 =	simm.s32 $0xE000  }
0x7: {  	s21 =	simm.s32 $0x12180;
	s22 =	simm.s32 $0x0;
	[smem:$0x7FF] =	sst s2  }
0x8: {  	s4 =	sshll.u32 s1, $0x6;
	s7 =	sshll.u32 s1, $0xA;
	s10 =	sshll.u32 s1, $0x1  }
0x9: {  	_ =	strace $0x80000047;
	s6 =	sand.u32 $0x380, s4;
	s4 =	sand.u32 $0x1, s26  }
0xa: {  	s7 =	sand.u32 $0x400, s7;
	s28 =	sand.u32 $0x2, s10;
	s5 =	sshrl.u32 s6, $0x3  }
0xb: {  	s8 =	sshll.u32 s4, $0x6;
	s29 =	ssub.s32 $0x2, s4;
	s4 =	sor.u32 s4, s28  }
0xc: {  	s5 =	sadd.s32 s5, s3;
	s7 =	sor.u32 s8, s7;
	s30 =	sshrl.u32 s29, $0x1  }
0xd: {  	s11 =	smul.u32 $0xC000, s4;
	s7 =	sor.u32 s6, s7;
	s10 =	ssub.s32 s29, s30  }
.Ltmp0:
0xe: {  	s4 =	sadd.s32 $0x5A00, s5;
	s7 =	sshrl.u32 s7, $0x3;
	(pc) =	sbr.rel .LBB2_1-.Ltmp0, $4  }
0xf: {  	s31 =	sor.u32 s6, s11;
	s10 =	smax.u32 s10, $0x1;
	s12 =	sadd.s32 s7, s3  }
0x10: {  	s3 =	sadd.s32 $0x1A00, s5;
	s5 =	sadd.s32 $0x3A00, s5;
	s11 =	sshrl.u32 s31, $0x3  }
0x11: {  	s6 =	sadd.s32 $0x7A00, s12;
	s7 =	sadd.s32 $0x7C00, s12;
	s8 =	sadd.s32 $0x7E00, s12  }
0x12: {  	s9 =	sadd.s32 s9, s11;
	s11 =	simm.s32 $0x80;
	s12 =	simm.s32 $0x400  }
.LBB2_17:
0x13: {  	s22 =	sadd.s32 $0x1, s22  }
0x14: {  	p0 =	sne.s32 s22, s10  }
.Ltmp1:
0x15: {  	_ = 	snop;
	(pc) =	sbr.rel @!p0 .LBB2_18-.Ltmp1, $4  }
0x16: {  	[hbm4b:s9+s11] =	stream.strided.scatter [tilespmem:s21], [sflag:$0x1], $0x1800, s12, s11, $0x38;
	[tilespmem:$0x13980] =	vst v63  }
0x17: {  	_ =	swait.ge [sflag:s13], $0x1800  }
0x18: {  	[sflag:s13] =	ssyncset.done $0x0  }
0x19: {  	[sflag:s13] =	ssyncadd.s32 $0xFFFFE800  }
.LBB2_1:
0x1a: {  	[tilespmem:s2], [sflag:$0x1] =	stream.strided.gather [hbm4b:s3+s11], $0x2000, s12, s11, $0x38;
	[tilespmem:$0x13980] =	vst v63  }
0x1b: {  	_ =	swait.ge [sflag:s13], $0x2000  }
0x1c: {  	[sflag:s13] =	ssyncset.done $0x0  }
0x1d: {  	[sflag:s13] =	ssyncadd.s32 $0xFFFFE000  }
0x1e: {  	[tilespmem:s14], [sflag:$0x1] =	stream.strided.gather [hbm4b:s4+s11], $0x2000, s12, s11, $0x38;
	[tilespmem:$0x13980] =	vst v63  }
0x1f: {  	_ =	swait.ge [sflag:s13], $0x2000  }
0x20: {  	[sflag:s13] =	ssyncset.done $0x0  }
0x21: {  	[sflag:s13] =	ssyncadd.s32 $0xFFFFE000  }
0x22: {  	[tilespmem:s15], [sflag:$0x1] =	stream.strided.gather [hbm4b:s5+s11], $0x2000, s12, s11, $0x38;
	[tilespmem:$0x13980] =	vst v63  }
0x23: {  	_ =	swait.ge [sflag:s13], $0x2000  }
0x24: {  	[sflag:s13] =	ssyncset.done $0x0  }
0x25: {  	[sflag:s13] =	ssyncadd.s32 $0xFFFFE000  }
0x26: {  	[tilespmem:s16], [sflag:$0x1] =	stream.linear.gather [hbm4b:s6+s2], $0x40, $0x38;
	[tilespmem:$0x13980] =	vst v63  }
0x27: {  	_ =	swait.ge [sflag:s13], $0x40  }
0x28: {  	[sflag:s13] =	ssyncset.done $0x0  }
0x29: {  	[sflag:s13] =	ssyncadd.s32 $0xFFFFFFC0  }
0x2a: {  	[tilespmem:s17], [sflag:$0x1] =	stream.linear.gather [hbm4b:s7+s2], $0x40, $0x38;
	[tilespmem:$0x13980] =	vst v63  }
0x2b: {  	_ =	swait.ge [sflag:s13], $0x40  }
0x2c: {  	[sflag:s13] =	ssyncset.done $0x0  }
0x2d: {  	[sflag:s13] =	ssyncadd.s32 $0xFFFFFFC0  }
0x2e: {  	[tilespmem:s18], [sflag:$0x1] =	stream.linear.gather [hbm4b:s8+s2], $0x40, $0x38;
	[tilespmem:$0x13980] =	vst v63  }
0x2f: {  	_ =	swait.ge [sflag:s13], $0x40  }
0x30: {  	[sflag:s13] =	ssyncset.done $0x0  }
0x31: {  	s24 =	simm.s32 $0x0;
	[sflag:s13] =	ssyncadd.s32 $0xFFFFFFC0  }
0x32: {  	v2 =	vld [tilespmem:s24+$0x0]  }
0x33: {  	v3 =	vld [tilespmem:s24+$0x2000]  }
0x34: {  	v6 =	vld [tilespmem:s24+$0x4000];
	_ =	sdelay $0x3  }
0x35: {  	s23 =	simm.s32 $0x10;
	v5 =	vmul.f32 v2, v2;
	v7 =	vmul.f32 v3, v3;
	v8 =	vshrl.u32 v2, $0x10  }
0x36: {  	v4 =	vld [tilespmem:s23+$0x0];
	v9 =	vshrl.u32 v3, $0x10;
	v10 =	vmul.f32 v6, v6;
	v11 =	vshrl.u32 v6, $0x10  }
0x37: {  	v8 =	vand.u32 $0x1, v8;
	v9 =	vand.u32 $0x1, v9;
	v7 =	vadd.f32 v7, v5;
	v5 =	vld [tilespmem:s23+$0x2000]  }
0x38: {  	v8 =	vadd.s32 v8, v2;
	v3 =	vadd.s32 v9, v3;
	v9 =	vand.u32 $0x1, v11  }
0x39: {  	v2 =	vld [tilespmem:s23+$0x4000];
	v8 =	vadd.s32 $0x7FFF, v8;
	v6 =	vadd.s32 v9, v6  }
0x3a: {  	v3 =	vadd.s32 $0x7FFF, v3;
	v7 =	vadd.f32 v10, v7;
	v8 =	vand.u32 $0xFFFF0000, v8  }
0x3b: {  	v9 =	vshrl.u32 v4, $0x10;
	v6 =	vadd.s32 $0x7FFF, v6;
	v11 =	vand.u32 $0xFFFF0000, v3;
	[tilespmem:s24+$0x6000] =	vst v8  }
0x3c: {  	s25 =	simm.s32 $0x20;
	[tilespmem:s24+$0xC000] =	vst v7;
	v7 =	vmul.f32 v4, v4;
	v8 =	vshrl.u32 v5, $0x10;
	v10 =	vmul.f32 v5, v5  }
0x3d: {  	s26 =	simm.s32 $0xC0;
	v9 =	vand.u32 $0x1, v9;
	v6 =	vand.u32 $0xFFFF0000, v6;
	v3 =	vld [tilespmem:s25+$0x0];
	[tilespmem:s24+$0x8000] =	vst v11;
	v8 =	vand.u32 $0x1, v8  }
.LBB2_2:
0x3e: {  	p0 =	sne.s32 s26, $0x7FC0;
	v11 =	vld [tilespmem:s25+$0x2000];
	v7 =	vadd.f32 v10, v7;
	v10 =	vmul.f32 v2, v2;
	v12 =	vshrl.u32 v2, $0x10;
	[tilespmem:s24+$0xA000] =	vst v6;
	s24 =	smov.u32 s23;
	s23 =	smov.u32 s25  }
0x3f: {  	v4 =	vadd.s32 v9, v4;
	v5 =	vadd.s32 v8, v5;
	v6 =	vand.u32 $0x1, v12  }
.Ltmp2:
0x40: {  	v7 =	vadd.f32 v10, v7;
	v10 =	vadd.s32 $0x7FFF, v4;
	v6 =	vadd.s32 v6, v2;
	v2 =	vld [tilespmem:s23+$0x4000];
	(pc) =	sbr.rel @p0 .LBB2_2-.Ltmp2, $4  }
0x41: {  	v0 =	vadd.s32 $0x7FFF, v5;
	v8 =	vand.u32 $0xFFFF0000, v10;
	v1 =	vadd.s32 $0x7FFF, v6  }
0x42: {  	v12 =	vand.u32 $0xFFFF0000, v0;
	v9 =	vshrl.u32 v3, $0x10;
	[tilespmem:s24+$0xC000] =	vst v7;
	v6 =	vand.u32 $0xFFFF0000, v1;
	v4 =	vmovc v3  }
0x43: {  	s25 =	sshra.s32 s26, $0x2;
	v7 =	vmul.f32 v3, v4;
	v10 =	vmul.f32 v11, v11;
	v13 =	vshrl.u32 v11, $0x10;
	[tilespmem:s24+$0x6000] =	vst v8;
	v5 =	vmovc v11  }
0x44: {  	s26 =	sadd.s32 $0x40, s26;
	v9 =	vand.u32 $0x1, v9;
	v3 =	vld [tilespmem:s25+$0x0];
	v8 =	vand.u32 $0x1, v13;
	[tilespmem:s24+$0x8000] =	vst v12  }
0x45: {  	v11 =	vld [tilespmem:s25+$0x2000];
	v7 =	vadd.f32 v10, v7;
	[tilespmem:s24+$0xA000] =	vst v6;
	v47 =	vmul.f32 v2, v2  }
0x46: {  	v48 =	vshrl.u32 v2, $0x10;
	v4 =	vadd.s32 v9, v4;
	v5 =	vadd.s32 v8, v5;
	v49 =	vld [tilespmem:s25+$0x4000]  }
0x47: {  	v50 =	vand.u32 $0x1, v48;
	v4 =	vadd.s32 $0x7FFF, v4;
	v5 =	vadd.s32 $0x7FFF, v5  }
0x48: {  	v6 =	vadd.f32 v47, v7;
	v51 =	vadd.s32 v50, v2;
	v4 =	vand.u32 $0xFFFF0000, v4  }
0x49: {  	v5 =	vand.u32 $0xFFFF0000, v5;
	v2 =	vadd.s32 $0x7FFF, v51;
	v52 =	vmul.f32 v3, v3  }
0x4a: {  	v54 =	vshrl.u32 v3, $0x10;
	v2 =	vand.u32 $0xFFFF0000, v2;
	v53 =	vmul.f32 v11, v11  }
0x4b: {  	[tilespmem:s23+$0x6000] =	vst v4;
	v55 =	vshrl.u32 v11, $0x10;
	v57 =	vand.u32 $0x1, v54;
	v56 =	vmul.f32 v49, v49  }
0x4c: {  	[tilespmem:s23+$0xC000] =	vst v6;
	v6 =	vand.u32 $0x1, v55;
	v58 =	vshrl.u32 v49, $0x10;
	v59 =	vadd.s32 v57, v3  }
0x4d: {  	[tilespmem:s23+$0x8000] =	vst v5;
	v7 =	vadd.f32 v53, v52;
	v61 =	vadd.s32 v6, v11;
	v3 =	vadd.s32 $0x7FFF, v59  }
.Ltmp3:
0x4e: {  	[tilespmem:s23+$0xA000] =	vst v2;
	v5 =	vand.u32 $0x1, v58;
	v3 =	vand.u32 $0xFFFF0000, v3;
	v2 =	vadd.s32 $0x7FFF, v61;
	(pc) =	sbr.rel .LBB2_4-.Ltmp3, $4  }
0x4f: {  	v5 =	vadd.s32 v5, v49;
	v60 =	vadd.f32 v56, v7;
	v2 =	vand.u32 $0xFFFF0000, v2;
	[tilespmem:s25+$0x6000] =	vst v3  }
0x50: {  	v62 =	vadd.s32 $0x7FFF, v5;
	[tilespmem:s25+$0x8000] =	vst v2  }
0x51: {  	v63 =	vand.u32 $0xFFFF0000, v62;
	[tilespmem:s25+$0xC000] =	vst v60  }
0x52: {  	s23 =	simm.s32 $0x0;
	[tilespmem:s25+$0xA000] =	vst v63  }
.LBB2_9:
0x53: {  	v3 =	vimm.s32 $0x0  }
.LBB2_16:
0x54: {  	_ =	sdelay $0x3  }
0x55: {  	v0 =	vld.idx.msk [tilespmem:v2+s2+$0x0], $0xffff;
	_ =	sdelay $0x1  }
0x56: {  	s24 =	smul.u32 $0x180, s23;
	_ =	sdelay $0x1  }
0x57: {  	s24 =	sshra.s32 s24, $0x2  }
0x58: {  	[tilespmem:s24+$0x12180] =	vst v0  }
0x59: {  	v0 =	vld.idx.msk [tilespmem:v3+s2+$0x0], $0xffff;
	_ =	sdelay $0x4  }
0x5a: {  	[tilespmem:s24+$0x12190] =	vst v0  }
0x5b: {  	v0 =	vld.idx.msk [tilespmem:v2+s14+$0x0], $0xffff;
	_ =	sdelay $0x4  }
0x5c: {  	[tilespmem:s24+$0x121A0] =	vst v0  }
0x5d: {  	v0 =	vld.idx.msk [tilespmem:v3+s14+$0x0], $0xffff;
	_ =	sdelay $0x4  }
0x5e: {  	[tilespmem:s24+$0x121B0] =	vst v0  }
0x5f: {  	v0 =	vld.idx.msk [tilespmem:v2+s15+$0x0], $0xffff;
	_ =	sdelay $0x4  }
0x60: {  	s23 =	sadd.s32 $0x1, s23;
	[tilespmem:s24+$0x121C0] =	vst v0  }
0x61: {  	p0 =	sne.s32 s23, $0x40;
	v0 =	vld.idx.msk [tilespmem:v3+s15+$0x0], $0xffff  }
.Ltmp4:
0x62: {  	_ = 	snop;
	(pc) =	sbr.rel @!p0 .LBB2_17-.Ltmp4, $2  }
0x63: {  	_ =	sdelay $0x2  }
0x64: {  	[tilespmem:s24+$0x121D0] =	vst v0  }
.LBB2_4:
0x65: {  	s24 =	simm.s32 $0x0  }
0x66: {  	v8 =	vld [tilespmem:s24+$0xC0F0]  }
0x67: {  	v9 =	vld [tilespmem:s24+$0xC0E0]  }
0x68: {  	v10 =	vld [tilespmem:s24+$0xC0D0]  }
0x69: {  	v11 =	vld [tilespmem:s24+$0xC0C0]  }
0x6a: {  	v12 =	vld [tilespmem:s24+$0xC0B0]  }
0x6b: {  	v13 =	vld [tilespmem:s24+$0xA0F0]  }
0x6c: {  	v14 =	vld [tilespmem:s24+$0xC0A0]  }
0x6d: {  	v15 =	vld [tilespmem:s24+$0xA0E0]  }
0x6e: {  	v16 =	vld [tilespmem:s24+$0xC090]  }
0x6f: {  	v17 =	vld [tilespmem:s24+$0xA0D0]  }
0x70: {  	v20 =	vld [tilespmem:s24+$0x60F0]  }
0x71: {  	v21 =	vld [tilespmem:s24+$0x80F0]  }
0x72: {  	v38 =	vld [tilespmem:s24+$0xC080]  }
0x73: {  	v22 =	vld [tilespmem:s24+$0xA0C0]  }
0x74: {  	v23 =	vld [tilespmem:s24+$0x60E0]  }
0x75: {  	v25 =	vld [tilespmem:s24+$0x80E0]  }
0x76: {  	v55 =	vld [tilespmem:s24+$0xC070]  }
0x77: {  	v26 =	vld [tilespmem:s24+$0xA0B0]  }
0x78: {  	v28 =	vld [tilespmem:s24+$0x60D0]  }
0x79: {  	v29 =	vld [tilespmem:s24+$0x80D0]  }
0x7a: {  	v30 =	vld [tilespmem:s24+$0xC060]  }
0x7b: {  	v2 =	vmov s23;
	v31 =	vld [tilespmem:s24+$0xA0A0]  }
0x7c: {  	v32 =	vld [tilespmem:s24+$0x60C0]  }
0x7d: {  	v33 =	vld [tilespmem:s24+$0x80C0]  }
0x7e: {  	v34 =	vld [tilespmem:s24+$0xC050]  }
0x7f: {  	v35 =	vld [tilespmem:s24+$0xA090]  }
0x80: {  	v3 =	vld.idx.msk [tilespmem:v2+s16+$0x0], $0xffff  }
0x81: {  	v5 =	vld.idx.msk [tilespmem:v2+s17+$0x0], $0xffff  }
0x82: {  	v36 =	vld [tilespmem:s24+$0x60B0]  }
0x83: {  	v2 =	vld.idx.msk [tilespmem:v2+s18+$0x0], $0xffff  }
0x84: {  	v37 =	vld [tilespmem:s24+$0x80B0]  }
0x85: {  	v1 =	vld [tilespmem:s24+$0xC040]  }
0x86: {  	v39 =	vld [tilespmem:s24+$0xA080];
	v4 =	vmul.f32 v3, v3;
	v6 =	vmul.f32 v5, v5  }
0x87: {  	v40 =	vld [tilespmem:s24+$0x60A0]  }
0x88: {  	v41 =	vld [tilespmem:s24+$0x80A0];
	v7 =	vshrl.u32 v2, $0x10;
	v4 =	vadd.f32 v6, v4;
	v6 =	vmul.f32 v2, v2  }
0x89: {  	v24 =	vld [tilespmem:s24+$0xC030];
	v7 =	vand.u32 $0x1, v7  }
0x8a: {  	v57 =	vld [tilespmem:s24+$0x6090];
	v2 =	vadd.s32 v7, v2;
	v4 =	vadd.f32 v6, v4;
	v6 =	vshrl.u32 v3, $0x10  }
0x8b: {  	v44 =	vld [tilespmem:s24+$0x8090];
	v18 =	vshrl.u32 v5, $0x10;
	v2 =	vadd.s32 $0x7FFF, v2;
	v6 =	vand.u32 $0x1, v6  }
0x8c: {  	v27 =	vld [tilespmem:s24+$0xC020];
	v2 =	vand.u32 $0xFFFF0000, v2;
	v3 =	vadd.s32 v6, v3;
	v6 =	vand.u32 $0x1, v18  }
0x8d: {  	v46 =	vld [tilespmem:s24+$0x6080];
	v19 =	vmul.f32 v2, v13;
	v3 =	vadd.s32 $0x7FFF, v3;
	v5 =	vadd.s32 v6, v5  }
0x8e: {  	v50 =	vld [tilespmem:s24+$0x6070];
	v17 =	vmul.f32 v2, v17;
	v6 =	vand.u32 $0xFFFF0000, v3;
	v3 =	vadd.s32 $0x7FFF, v5  }
0x8f: {  	v56 =	vld [tilespmem:s24+$0x6060];
	v18 =	vmul.f32 v2, v15;
	v7 =	vand.u32 $0xFFFF0000, v3;
	v3 =	vmul.f32 v6, v20  }
0x90: {  	v43 =	vld [tilespmem:s24+$0x6030];
	v20 =	vmul.f32 v2, v22;
	v54 =	vmul.f32 v6, v23  }
0x91: {  	v47 =	vld [tilespmem:s24+$0x8080];
	v22 =	vmul.f32 v2, v26;
	v51 =	vmul.f32 v6, v28  }
0x92: {  	v42 =	vld [tilespmem:s24+$0xC000];
	v0 =	vadd.f32 v8, v4;
	v23 =	vmul.f32 v2, v31;
	v59 =	vmul.f32 v6, v32  }
0x93: {  	v45 =	vld [tilespmem:s24+$0xC010];
	v13 =	vadd.f32 v38, v4;
	v61 =	vmul.f32 v6, v36;
	v26 =	vmul.f32 v2, v39  }
0x94: {  	v53 =	vld [tilespmem:s24+$0x8070];
	v15 =	vadd.f32 v30, v4;
	v63 =	vmul.f32 v6, v46;
	v58 =	vmul.f32 v6, v50  }
0x95: {  	v30 =	vld [tilespmem:s24+$0x8030];
	v24 =	vadd.f32 v24, v4;
	v56 =	vmul.f32 v6, v56;
	v43 =	vmul.f32 v6, v43  }
0x96: {  	v38 =	vld [tilespmem:s24+$0x8000];
	[tilespmem:$0x1FFB0] =	vst v0;
	v0 =	vadd.f32 v9, v4;
	v5 =	vmul.f32 v7, v21;
	v49 =	vmul.f32 v7, v25  }
0x97: {  	v27 =	vadd.f32 v27, v4;
	v28 =	vld [tilespmem:s24+$0x8060];
	v48 =	vmul.f32 v7, v29;
	v60 =	vmul.f32 v7, v33  }
0x98: {  	v31 =	vld [tilespmem:s24+$0x8050];
	[tilespmem:$0x1FFC0] =	vst v0;
	v0 =	vadd.f32 v10, v4;
	v25 =	vmul.f32 v2, v35;
	v52 =	vmul.f32 v7, v37  }
0x99: {  	v32 =	vld [tilespmem:s24+$0x6040];
	v37 =	vmul.f32 v6, v40;
	v36 =	vmul.f32 v7, v41;
	v21 =	vadd.f32 v1, v4  }
0x9a: {  	v29 =	vld [tilespmem:s24+$0x6050];
	v62 =	vmul.f32 v7, v44;
	[tilespmem:$0x1FFD0] =	vst v0;
	v0 =	vadd.f32 v11, v4;
	v11 =	vadd.f32 v14, v4  }
0x9b: {  	v35 =	vld [tilespmem:s24+$0x8040];
	v39 =	vmul.f32 v7, v47;
	v14 =	vadd.f32 v55, v4;
	v36 =	vadd.f32 v36, v37  }
0x9c: {  	v47 =	vld [tilespmem:s24+$0x8020];
	v55 =	vmul.f32 v6, v57;
	v37 =	vadd.f32 v52, v61;
	[tilespmem:$0x1FFE0] =	vst v0;
	v0 =	vadd.f32 v12, v4  }
0x9d: {  	v40 =	vld [tilespmem:s24+$0x6010];
	v57 =	vmul.f32 v7, v53;
	v12 =	vadd.f32 v16, v4;
	v16 =	vadd.f32 v34, v4  }
0x9e: {  	v53 =	vld [tilespmem:s24+$0x6000];
	v41 =	vmul.f32 v7, v28;
	v33 =	vmul.f32 v7, v31;
	v28 =	vadd.f32 v42, v4  }
0x9f: {  	p0 =	por $0x1, $0x1;
	v34 =	vld [tilespmem:s24+$0x6020];
	v42 =	vmul.f32 v6, v32;
	v31 =	vadd.f32 v45, v4;
	v45 =	vmul.f32 v7, v30  }
.Ltmp5:
0xa0: {  	v50 =	vld [tilespmem:s24+$0x8010];
	v30 =	vadd.f32 v49, v54;
	v32 =	vadd.f32 v5, v3;
	v54 =	vmul.f32 v7, v38;
	(pc) =	sbr.rel @!p0 .LBB2_6-.Ltmp5, $4  }
0xa1: {  	v52 =	vld [tilespmem:s24+$0xA050];
	v38 =	vadd.f32 v39, v63;
	v39 =	vadd.f32 v62, v55;
	v29 =	vmul.f32 v6, v29  }
0xa2: {  	v44 =	vmul.f32 v7, v35;
	v49 =	vmul.f32 v7, v47;
	v47 =	vld [tilespmem:s24+$0xA070];
	v35 =	vadd.f32 v48, v51  }
0xa3: {  	v48 =	vld [tilespmem:s24+$0xA060];
	v55 =	vmul.f32 v6, v40;
	v40 =	vadd.f32 v41, v56;
	v41 =	vadd.f32 v57, v58  }
0xa4: {  	s25 =	simm.f32 $-Inf;
	s26 =	simm.s32 $0x400;
	[tilespmem:$0x1FFF0] =	vst v0;
	v51 =	vmul.f32 v6, v53;
	v53 =	vld [tilespmem:s24+$0xA040];
	v46 =	vmul.f32 v6, v34;
	v34 =	vadd.f32 v60, v59  }
.LBB2_5:
0xa5: {  	v42 =	vadd.f32 v44, v42  }
0xa6: {  	v56 =	vld [tilespmem:s24+$0xA030];
	v33 =	vadd.f32 v33, v29;
	v46 =	vadd.f32 v49, v46  }
0xa7: {  	v63 =	vld [tilespmem:s24+$0xA000];
	v43 =	vadd.f32 v45, v43;
	v19 =	vadd.f32 v19, v32  }
0xa8: {  	v58 =	vld [tilespmem:s24+$0xA010];
	v20 =	vadd.f32 v20, v34;
	v34 =	vadd.f32 v17, v35  }
0xa9: {  	v59 =	vld [tilespmem:s24+$0xA020];
	v61 =	vadd.f32 v23, v36;
	v62 =	vadd.f32 v22, v37  }
0xaa: {  	s28 =	sshra.s32 s26, $0x2;
	v0 =	vld [tilespmem:$0x1FFF0];
	v38 =	vadd.f32 v26, v38;
	v39 =	vadd.f32 v25, v39;
	v50 =	vmul.f32 v7, v50  }
0xab: {  	v29 =	vld [tilespmem:s28+$0xC0F0];
	v45 =	vmul.f32 v2, v47;
	v47 =	vadd.f32 v54, v51;
	v48 =	vmul.f32 v2, v48  }
0xac: {  	v22 =	vld [tilespmem:s28+$0xC0D0];
	v52 =	vmul.f32 v2, v52;
	v54 =	vadd.f32 v18, v30;
	v18 =	vmul.f32 v2, v53  }
0xad: {  	v23 =	vld [tilespmem:s28+$0xC0C0];
	v60 =	vmul.f32 v2, v56;
	v63 =	vmul.f32 v2, v63;
	v57 =	vadd.f32 v50, v55  }
0xae: {  	v25 =	vld [tilespmem:s28+$0xC0B0];
	v26 =	vmul.f32 v2, v58;
	v40 =	vadd.f32 v48, v40;
	v41 =	vadd.f32 v45, v41  }
0xaf: {  	v17 =	vld [tilespmem:s28+$0xA0F0];
	v53 =	vmul.f32 v2, v59;
	v42 =	vadd.f32 v18, v42;
	v33 =	vadd.f32 v52, v33  }
0xb0: {  	v32 =	vld [tilespmem:s28+$0xC090];
	v37 =	vadd.f32 v63, v47;
	v55 =	vadd.f32 v26, v57  }
0xb1: {  	v30 =	vld [tilespmem:s28+$0xC0E0];
	v44 =	vadd.f32 v53, v46;
	v43 =	vadd.f32 v60, v43  }
0xb2: {  	v56 =	vld [tilespmem:s28+$0x80F0];
	v37 =	vadd.f32 v37, v37;
	v45 =	vadd.f32 v55, v55  }
0xb3: {  	v18 =	vld [tilespmem:s28+$0xA0E0];
	v44 =	vadd.f32 v44, v44;
	v43 =	vadd.f32 v43, v43  }
0xb4: {  	v46 =	vld [tilespmem:s28+$0xA0D0];
	v28 =	vsub.f32 v28, v37;
	v31 =	vsub.f32 v31, v45  }
0xb5: {  	v26 =	vld [tilespmem:s28+$0xC0A0];
	v42 =	vadd.f32 v42, v42;
	v27 =	vsub.f32 v27, v44  }
0xb6: {  	v33 =	vadd.f32 v33, v33;
	v37 =	vld [tilespmem:s28+$0x60F0];
	v43 =	vsub.f32 v24, v43;
	[tilespmem:s24+$0xE000] =	vst v28;
	v28 =	vmin.f32 v28, v31  }
0xb7: {  	v21 =	vsub.f32 v21, v42;
	v24 =	vld [tilespmem:s28+$0xC080];
	[tilespmem:s24+$0xE010] =	vst v31;
	v31 =	vadd.f32 v40, v40;
	v28 =	vmin.f32 v28, v27  }
0xb8: {  	v16 =	vsub.f32 v16, v33;
	v57 =	vld [tilespmem:s28+$0xA0C0];
	[tilespmem:s24+$0xE020] =	vst v27;
	v27 =	vmin.f32 v28, v43;
	v28 =	vadd.f32 v41, v41  }
0xb9: {  	v58 =	vld [tilespmem:s28+$0x60E0];
	[tilespmem:s24+$0xE030] =	vst v43;
	v15 =	vsub.f32 v15, v31;
	v27 =	vmin.f32 v27, v21  }
0xba: {  	v31 =	vadd.f32 v38, v38;
	v59 =	vld [tilespmem:s28+$0x80E0];
	[tilespmem:s24+$0xE040] =	vst v21;
	v21 =	vmin.f32 v27, v16;
	v14 =	vsub.f32 v14, v28  }
0xbb: {  	v28 =	vld [tilespmem:s28+$0xC070];
	[tilespmem:s24+$0xE050] =	vst v16;
	v16 =	vmin.f32 v21, v15  }
0xbc: {  	v13 =	vsub.f32 v13, v31;
	v31 =	vld [tilespmem:s28+$0xA0B0];
	[tilespmem:s24+$0xE060] =	vst v15;
	v15 =	vmin.f32 v16, v14;
	v16 =	vadd.f32 v62, v62;
	_ =	sdelay $0x1  }
0xbd: {  	v10 =	vsub.f32 v0, v16;
	v0 =	vld [tilespmem:$0x1FFE0]  }
0xbe: {  	v27 =	vadd.f32 v39, v39;
	_ =	sdelay $0x1  }
0xbf: {  	v12 =	vsub.f32 v12, v27;
	v27 =	vld [tilespmem:s28+$0x60D0];
	[tilespmem:s24+$0xE070] =	vst v14;
	v14 =	vmin.f32 v15, v13;
	v15 =	vadd.f32 v20, v20;
	_ =	sdelay $0x1  }
0xc0: {  	v9 =	vsub.f32 v0, v15;
	v0 =	vld [tilespmem:$0x1FFD0]  }
0xc1: {  	v21 =	vadd.f32 v61, v61;
	_ =	sdelay $0x1  }
0xc2: {  	v11 =	vsub.f32 v11, v21;
	v21 =	vld [tilespmem:s28+$0x80D0];
	[tilespmem:s24+$0xE080] =	vst v13;
	v13 =	vmin.f32 v14, v12;
	v14 =	vadd.f32 v34, v34;
	_ =	sdelay $0x1  }
0xc3: {  	v8 =	vsub.f32 v0, v14;
	v0 =	vld [tilespmem:$0x1FFC0];
	_ =	sdelay $0x2  }
0xc4: {  	v16 =	vld [tilespmem:s28+$0xC060];
	[tilespmem:s24+$0xE090] =	vst v12;
	v12 =	vmin.f32 v13, v11;
	v13 =	vadd.f32 v54, v54;
	_ =	sdelay $0x1  }
0xc5: {  	v5 =	vsub.f32 v0, v13;
	v0 =	vld [tilespmem:$0x1FFB0];
	_ =	sdelay $0x1  }
0xc6: {  	v15 =	vld [tilespmem:s28+$0xA0A0];
	[tilespmem:s24+$0xE0A0] =	vst v11  }
0xc7: {  	v11 =	vmin.f32 v12, v10;
	v12 =	vadd.f32 v19, v19;
	v14 =	vld [tilespmem:s28+$0x60C0];
	[tilespmem:s24+$0xE0B0] =	vst v10  }
0xc8: {  	v13 =	vld [tilespmem:s28+$0x80C0];
	[tilespmem:s24+$0xE0C0] =	vst v9  }
0xc9: {  	v34 =	vld [tilespmem:s28+$0xC050];
	[tilespmem:s24+$0xE0D0] =	vst v8;
	v3 =	vsub.f32 v0, v12  }
0xca: {  	v12 =	vld [tilespmem:s28+$0xA090];
	[tilespmem:s24+$0xE0E0] =	vst v5  }
0xcb: {  	v60 =	vld [tilespmem:s28+$0x60B0];
	[tilespmem:s24+$0xE0F0] =	vst v3;
	s24 =	smov.u32 s28  }
0xcc: {  	v61 =	vld [tilespmem:s24+$0x80B0]  }
0xcd: {  	v39 =	vld [tilespmem:s24+$0xC040]  }
0xce: {  	v62 =	vld [tilespmem:s24+$0xA080]  }
0xcf: {  	v63 =	vld [tilespmem:s24+$0x60A0]  }
0xd0: {  	v43 =	vld [tilespmem:s24+$0x80A0]  }
0xd1: {  	v10 =	vmin.f32 v11, v9;
	v45 =	vld [tilespmem:s24+$0xC030]  }
0xd2: {  	v9 =	vmin.f32 v10, v8;
	v47 =	vld [tilespmem:s24+$0x6090]  }
0xd3: {  	v8 =	vmin.f32 v9, v5;
	v48 =	vld [tilespmem:s24+$0x8090]  }
0xd4: {  	v5 =	vmin.f32 v8, v3;
	v49 =	vld [tilespmem:s24+$0xC020]  }
0xd5: {  	(xrf0) =	vmin.scan.msk.f32 $0xffff, v5;
	v50 =	vld [tilespmem:s24+$0x6080]  }
0xd6: {  	v18 =	vmul.f32 v2, v18;
	v40 =	vmul.f32 v7, v56;
	v51 =	vld [tilespmem:s24+$0x8080]  }
0xd7: {  	v37 =	vmul.f32 v6, v37;
	v20 =	vmul.f32 v2, v57;
	v0 =	vadd.f32 v29, v4;
	v52 =	vld [tilespmem:s24+$0xC000]  }
0xd8: {  	v38 =	vmul.f32 v7, v59;
	v54 =	vmul.f32 v6, v58;
	v53 =	vld [tilespmem:s24+$0xC010]  }
0xd9: {  	v55 =	vmul.f32 v6, v27;
	v56 =	vmul.f32 v7, v21;
	[tilespmem:$0x1FFB0] =	vst v0;
	v0 =	vadd.f32 v30, v4;
	v29 =	vld [tilespmem:s24+$0x6070]  }
0xda: {  	v19 =	vmul.f32 v2, v17;
	v17 =	vmul.f32 v2, v46;
	v30 =	vld [tilespmem:s24+$0x8070]  }
0xdb: {  	v11 =	vadd.f32 v26, v4;
	v57 =	vmul.f32 v6, v14;
	v33 =	vld [tilespmem:s24+$0x6060];
	[tilespmem:$0x1FFC0] =	vst v0;
	v0 =	vadd.f32 v22, v4;
	v3, _, _ =	vpop (xrf0)  }
0xdc: {  	v14 =	vadd.f32 v28, v4;
	v58 =	vmul.f32 v7, v13;
	v27 =	vld [tilespmem:s24+$0x8060];
	(v2sf) =	vpush v3, $0xF  }
0xdd: {  	v13 =	vadd.f32 v24, v4;
	v44 =	vld [tilespmem:s24+$0x8050];
	v22 =	vmul.f32 v2, v31;
	[tilespmem:$0x1FFD0] =	vst v0;
	v0 =	vadd.f32 v23, v4  }
0xde: {  	v35 =	vld [tilespmem:s24+$0x8040];
	v23 =	vmul.f32 v2, v15;
	v59 =	vmul.f32 v6, v60;
	v15 =	vadd.f32 v16, v4  }
0xdf: {  	v46 =	vld [tilespmem:s24+$0x8030];
	[tilespmem:$0x1FFE0] =	vst v0;
	v0 =	vadd.f32 v25, v4;
	v25 =	vmul.f32 v2, v12;
	v26 =	vmul.f32 v2, v62  }
0xe0: {  	v10 =	vld [tilespmem:s24+$0x6010];
	v16 =	vadd.f32 v34, v4;
	v41 =	vmul.f32 v7, v61;
	v36 =	vmul.f32 v6, v63  }
0xe1: {  	v31 =	vld [tilespmem:s24+$0x6050];
	v12 =	vadd.f32 v32, v4;
	v60 =	vmul.f32 v7, v43;
	v61 =	vmul.f32 v6, v47  }
0xe2: {  	v9 =	vld [tilespmem:s24+$0x8000];
	v62 =	vmul.f32 v7, v48;
	v63 =	vmul.f32 v6, v50;
	v21 =	vadd.f32 v39, v4  }
0xe3: {  	v34 =	vld [tilespmem:s24+$0x6020];
	v1 =	vmul.f32 v6, v29;
	v24 =	vadd.f32 v45, v4;
	v5 =	vmul.f32 v6, v33  }
0xe4: {  	v32 =	vld [tilespmem:s24+$0x6040];
	v8 =	vmul.f32 v7, v27;
	v27 =	vadd.f32 v49, v4;
	v33 =	vmul.f32 v7, v44  }
0xe5: {  	v43 =	vld [tilespmem:s24+$0x6030];
	v28 =	vadd.f32 v52, v4;
	v44 =	vmul.f32 v7, v35;
	v45 =	vmul.f32 v7, v46  }
0xe6: {  	v39 =	vld [tilespmem:s24+$0x8020];
	v35 =	vadd.f32 v56, v55;
	v55 =	vmul.f32 v6, v10;
	v29 =	vmul.f32 v6, v31  }
0xe7: {  	p0 =	sne.s32 s26, $0x7C00;
	v48 =	vld [tilespmem:s24+$0x6000];
	v31 =	vadd.f32 v53, v4;
	[tilespmem:$0x1FFF0] =	vst v0;
	v0 =	vmul.f32 v7, v51;
	v3 =	vmul.f32 v7, v30  }
.Ltmp6:
0xe8: {  	v50 =	vld [tilespmem:s24+$0x8010];
	v30 =	vadd.f32 v38, v54;
	v36 =	vadd.f32 v60, v36;
	v54 =	vmul.f32 v7, v9;
	(pc) =	sbr.rel @p0 .LBB2_5-.Ltmp6, $4  }
0xe9: {  	v47 =	vld [tilespmem:s24+$0xA070];
	v46 =	vmul.f32 v6, v34;
	v34 =	vadd.f32 v58, v57;
	v38 =	vadd.f32 v0, v63  }
0xea: {  	v52 =	vld [tilespmem:s24+$0xA050];
	v42 =	vmul.f32 v6, v32;
	v43 =	vmul.f32 v6, v43;
	v32 =	vadd.f32 v40, v37  }
0xeb: {  	v53 =	vld [tilespmem:s24+$0xA040];
	v49 =	vmul.f32 v7, v39;
	v37 =	vadd.f32 v41, v59;
	v39 =	vadd.f32 v62, v61;
	s31 =	spop (v2sf)  }
0xec: {  	s26 =	sadd.s32 $0x400, s26;
	v51 =	vmul.f32 v6, v48;
	v48 =	vld [tilespmem:s24+$0xA060];
	v40 =	vadd.f32 v8, v5;
	v41 =	vadd.f32 v3, v1;
	s25 =	smax.f32 s25, s31  }
.LBB2_6:
0xed: {  	v3 =	vadd.f32 v44, v42  }
0xee: {  	v0 =	vmul.f32 v7, v50;
	v4 =	vadd.f32 v33, v29;
	v7 =	vadd.f32 v45, v43  }
0xef: {  	v1 =	vld [tilespmem:s24+$0xA030];
	v18 =	vadd.f32 v18, v30;
	v19 =	vadd.f32 v19, v32  }
0xf0: {  	v5 =	vld [tilespmem:s24+$0xA000];
	v17 =	vadd.f32 v17, v35;
	v23 =	vadd.f32 v23, v36  }
0xf1: {  	v10 =	vld [tilespmem:s24+$0xA010];
	v22 =	vadd.f32 v22, v37;
	v26 =	vadd.f32 v26, v38  }
0xf2: {  	v25 =	vadd.f32 v25, v39;
	v0 =	vadd.f32 v0, v55;
	v55 =	vld [tilespmem:s24+$0xA020]  }
0xf3: {  	v6 =	vadd.f32 v49, v46;
	v8 =	vmul.f32 v2, v47;
	v56 =	vmul.f32 v2, v52  }
0xf4: {  	v9 =	vadd.f32 v54, v51;
	v54 =	vmul.f32 v2, v48;
	v57 =	vmul.f32 v2, v53  }
0xf5: {  	v8 =	vadd.f32 v8, v41;
	v4 =	vadd.f32 v56, v4;
	v1 =	vmul.f32 v2, v1  }
0xf6: {  	v5 =	vmul.f32 v2, v5;
	v10 =	vmul.f32 v2, v10;
	v29 =	vadd.f32 v54, v40  }
0xf7: {  	v3 =	vadd.f32 v57, v3;
	v4 =	vadd.f32 v4, v4;
	v2 =	vmul.f32 v2, v55  }
0xf8: {  	v5 =	vadd.f32 v5, v9;
	v0 =	vadd.f32 v10, v0  }
0xf9: {  	v1 =	vadd.f32 v1, v7;
	v2 =	vadd.f32 v2, v6  }
0xfa: {  	v5 =	vadd.f32 v5, v5;
	v0 =	vadd.f32 v0, v0  }
0xfb: {  	v1 =	vadd.f32 v1, v1;
	v2 =	vadd.f32 v2, v2  }
0xfc: {  	v5 =	vsub.f32 v28, v5;
	v0 =	vsub.f32 v31, v0  }
0xfd: {  	v3 =	vadd.f32 v3, v3;
	v2 =	vsub.f32 v27, v2  }
0xfe: {  	v8 =	vadd.f32 v8, v8;
	v1 =	vsub.f32 v24, v1;
	v6 =	vmin.f32 v5, v0  }
0xff: {  	v7 =	vadd.f32 v29, v29;
	v3 =	vsub.f32 v21, v3;
	v6 =	vmin.f32 v6, v2  }
0x100: {  	v58 =	vadd.f32 v26, v26;
	v4 =	vsub.f32 v16, v4;
	v6 =	vmin.f32 v6, v1  }
0x101: {  	v8 =	vsub.f32 v14, v8;
	v14 =	vld [tilespmem:$0x1FFF0];
	v7 =	vsub.f32 v15, v7;
	v6 =	vmin.f32 v6, v3  }
0x102: {  	v20 =	vadd.f32 v20, v34;
	v59 =	vadd.f32 v25, v25;
	v15 =	vld [tilespmem:$0x1FFE0];
	v6 =	vmin.f32 v6, v4  }
0x103: {  	v60 =	vld [tilespmem:$0x1FFD0];
	v9 =	vsub.f32 v13, v58;
	v13 =	vadd.f32 v23, v23;
	v6 =	vmin.f32 v6, v7  }
0x104: {  	v62 =	vld [tilespmem:$0x1FFC0];
	v10 =	vsub.f32 v12, v59;
	v12 =	vadd.f32 v22, v22;
	v6 =	vmin.f32 v6, v8  }
0x105: {  	v63 =	vld [tilespmem:$0x1FFB0];
	v11 =	vsub.f32 v11, v13;
	v13 =	vadd.f32 v20, v20;
	v6 =	vmin.f32 v6, v9  }
0x106: {  	v12 =	vsub.f32 v14, v12;
	v14 =	vadd.f32 v17, v17;
	v6 =	vmin.f32 v6, v10  }
0x107: {  	v13 =	vsub.f32 v15, v13;
	v15 =	vadd.f32 v18, v18;
	v6 =	vmin.f32 v6, v11  }
0x108: {  	v61 =	vadd.f32 v19, v19;
	v14 =	vsub.f32 v60, v14;
	v6 =	vmin.f32 v6, v12  }
0x109: {  	v15 =	vsub.f32 v62, v15;
	v6 =	vmin.f32 v6, v13  }
0x10a: {  	v16 =	vsub.f32 v63, v61;
	v6 =	vmin.f32 v6, v14  }
0x10b: {  	v6 =	vmin.f32 v6, v15  }
0x10c: {  	v6 =	vmin.f32 v6, v16  }
0x10d: {  	(xrf0) =	vmin.scan.msk.f32 $0xffff, v6;
	_ =	sdelay $0x5  }
0x10e: {  	v6, _, _ =	vpop (xrf0)  }
0x10f: {  	(v2sf) =	vpush v6, $0xF;
	_ =	sdelay $0x4  }
0x110: {  	[tilespmem:s24+$0xE080] =	vst v9  }
0x111: {  	[tilespmem:s24+$0xE090] =	vst v10  }
0x112: {  	[tilespmem:s24+$0xE050] =	vst v4  }
0x113: {  	[tilespmem:s24+$0xE070] =	vst v8  }
0x114: {  	[tilespmem:s24+$0xE0F0] =	vst v16  }
0x115: {  	[tilespmem:s24+$0xE0A0] =	vst v11  }
0x116: {  	[tilespmem:s24+$0xE040] =	vst v3  }
0x117: {  	[tilespmem:s24+$0xE060] =	vst v7  }
0x118: {  	[tilespmem:s24+$0xE000] =	vst v5  }
0x119: {  	[tilespmem:s24+$0xE010] =	vst v0  }
0x11a: {  	[tilespmem:s24+$0xE030] =	vst v1;
	s26 =	spop (v2sf)  }
0x11b: {  	[tilespmem:s24+$0xE020] =	vst v2;
	s25 =	smax.f32 s25, s26  }
0x11c: {  	[tilespmem:s24+$0xE0B0] =	vst v12;
	v0 =	vmov s25  }
0x11d: {  	[tilespmem:s24+$0xE0C0] =	vst v13;
	v0 =	vadd.f32 $0.0e+00, v0  }
0x11e: {  	v5 =	vimm.s32 $0x0;
	[tilespmem:s24+$0xE0D0] =	vst v14  }
0x11f: {  	v3 =	vimm.s32 $0xFFFFFFFF;
	[tilespmem:s24+$0xE0E0] =	vst v15;
	s24 =	simm.s32 $0xFFFFFFF8;
	v13 =	vlaneseq.u32;
	s26 =	simm.s32 $0xE040;
	s25 =	simm.s32 $0x70;
	v2 =	vbroadcast v0, $0x0  }
.LBB2_7:
0x120: {  	v0 =	vld [tilespmem:s26+$0xFFFFFFC0];
	_ =	sdelay $0x4  }
0x121: {  	vm0 =	vle.f32 v0, v2  }
0x122: {  	v0 =	vsel vm0, $0x1, v5  }
0x123: {  	(xrf0) =	vadd.scan.msk.s32 $0xffff, v0;
	_ =	sdelay $0x5  }
0x124: {  	v0, _, _ =	vpop (xrf0)  }
0x125: {  	v0 =	vadd.s32 v3, v0;
	_ =	sdelay $0x2  }
0x126: {  	s28 =	sadd.s32 $0xFFFFFF90, s25  }
0x127: {  	v1 =	vor.u32 s28, v13  }
0x128: {  	[tilespmem:v0+s19+$0x0] =	vst.idx.msk vm0, v1  }
0x129: {  	v0 =	vld [tilespmem:s26+$0xFFFFFFD0];
	_ =	sdelay $0x4  }
0x12a: {  	vm1 =	vle.f32 v0, v2  }
0x12b: {  	v0 =	vsel vm1, $0x1, v5  }
0x12c: {  	(xrf0) =	vadd.scan.msk.s32 $0xffff, v0;
	_ =	sdelay $0x3  }
0x12d: {  	v0 =	vmpcnt.ones.xlane vm0;
	_ =	sdelay $0x1  }
0x12e: {  	v0 =	vadd.s32 v3, v0;
	v1, _, _ =	vpop (xrf0)  }
0x12f: {  	v1 =	vadd.s32 v0, v1;
	_ =	sdelay $0x2  }
0x130: {  	s29 =	sadd.s32 $0xFFFFFFA0, s25  }
0x131: {  	v3 =	vor.u32 s29, v13  }
0x132: {  	[tilespmem:v1+s19+$0x0] =	vst.idx.msk vm1, v3  }
0x133: {  	v1 =	vld [tilespmem:s26+$0xFFFFFFE0];
	_ =	sdelay $0x4  }
0x134: {  	vm10 =	vle.f32 v1, v2  }
0x135: {  	v1 =	vsel vm10, $0x1, v5  }
0x136: {  	(xrf0) =	vadd.scan.msk.s32 $0xffff, v1;
	_ =	sdelay $0x1  }
0x137: {  	v1 =	vmpcnt.ones.xlane vm1;
	_ =	sdelay $0x3  }
0x138: {  	v0 =	vadd.s32 v0, v1;
	v1, _, _ =	vpop (xrf0)  }
0x139: {  	v1 =	vadd.s32 v0, v1;
	_ =	sdelay $0x2  }
0x13a: {  	s30 =	sadd.s32 $0xFFFFFFB0, s25  }
0x13b: {  	v3 =	vor.u32 s30, v13  }
0x13c: {  	[tilespmem:v1+s19+$0x0] =	vst.idx.msk vm10, v3  }
0x13d: {  	v1 =	vld [tilespmem:s26+$0xFFFFFFF0];
	_ =	sdelay $0x4  }
0x13e: {  	vm11 =	vle.f32 v1, v2  }
0x13f: {  	v1 =	vsel vm11, $0x1, v5  }
0x140: {  	(xrf0) =	vadd.scan.msk.s32 $0xffff, v1;
	_ =	sdelay $0x1  }
0x141: {  	v1 =	vmpcnt.ones.xlane vm10;
	_ =	sdelay $0x3  }
0x142: {  	v0 =	vadd.s32 v0, v1;
	v1, _, _ =	vpop (xrf0)  }
0x143: {  	v1 =	vadd.s32 v0, v1;
	_ =	sdelay $0x2  }
0x144: {  	s31 =	sadd.s32 $0xFFFFFFC0, s25  }
0x145: {  	v3 =	vor.u32 s31, v13  }
0x146: {  	[tilespmem:v1+s19+$0x0] =	vst.idx.msk vm11, v3  }
0x147: {  	v1 =	vld [tilespmem:s26+$0x0];
	_ =	sdelay $0x4  }
0x148: {  	vm12 =	vle.f32 v1, v2  }
0x149: {  	v1 =	vsel vm12, $0x1, v5  }
0x14a: {  	(xrf0) =	vadd.scan.msk.s32 $0xffff, v1;
	_ =	sdelay $0x1  }
0x14b: {  	v1 =	vmpcnt.ones.xlane vm11;
	_ =	sdelay $0x3  }
0x14c: {  	v0 =	vadd.s32 v0, v1;
	v1, _, _ =	vpop (xrf0)  }
0x14d: {  	v1 =	vadd.s32 v0, v1;
	_ =	sdelay $0x2  }
0x14e: {  	s29 =	sadd.s32 $0xFFFFFFD0, s25  }
0x14f: {  	v3 =	vor.u32 s29, v13  }
0x150: {  	[tilespmem:v1+s19+$0x0] =	vst.idx.msk vm12, v3  }
0x151: {  	v1 =	vld [tilespmem:s26+$0x10];
	_ =	sdelay $0x4  }
0x152: {  	vm13 =	vle.f32 v1, v2  }
0x153: {  	v1 =	vsel vm13, $0x1, v5  }
0x154: {  	(xrf0) =	vadd.scan.msk.s32 $0xffff, v1;
	_ =	sdelay $0x1  }
0x155: {  	v1 =	vmpcnt.ones.xlane vm12;
	_ =	sdelay $0x3  }
0x156: {  	v0 =	vadd.s32 v0, v1;
	v1, _, _ =	vpop (xrf0)  }
0x157: {  	v1 =	vadd.s32 v0, v1;
	_ =	sdelay $0x2  }
0x158: {  	s30 =	sadd.s32 $0xFFFFFFE0, s25  }
0x159: {  	v3 =	vor.u32 s30, v13  }
0x15a: {  	[tilespmem:v1+s19+$0x0] =	vst.idx.msk vm13, v3  }
0x15b: {  	v1 =	vld [tilespmem:s26+$0x20];
	_ =	sdelay $0x4  }
0x15c: {  	vm14 =	vle.f32 v1, v2  }
0x15d: {  	v1 =	vsel vm14, $0x1, v5  }
0x15e: {  	(xrf0) =	vadd.scan.msk.s32 $0xffff, v1;
	_ =	sdelay $0x1  }
0x15f: {  	v1 =	vmpcnt.ones.xlane vm13;
	_ =	sdelay $0x3  }
0x160: {  	v0 =	vadd.s32 v0, v1;
	v1, _, _ =	vpop (xrf0)  }
0x161: {  	v1 =	vadd.s32 v0, v1;
	_ =	sdelay $0x2  }
0x162: {  	s31 =	sadd.s32 $0xFFFFFFF0, s25  }
0x163: {  	v3 =	vor.u32 s31, v13  }
0x164: {  	[tilespmem:v1+s19+$0x0] =	vst.idx.msk vm14, v3  }
0x165: {  	v1 =	vld [tilespmem:s26+$0x30];
	_ =	sdelay $0x4  }
0x166: {  	vm15 =	vle.f32 v1, v2  }
0x167: {  	v1 =	vsel vm15, $0x1, v5  }
0x168: {  	(xrf0) =	vadd.scan.msk.s32 $0xffff, v1;
	_ =	sdelay $0x1  }
0x169: {  	v1 =	vmpcnt.ones.xlane vm14;
	_ =	sdelay $0x3  }
0x16a: {  	s24 =	sadd.s32 $0x8, s24;
	v0 =	vadd.s32 v0, v1;
	v1, _, _ =	vpop (xrf0)  }
0x16b: {  	p0 =	slt.u32 s24, $0x1F8;
	v1 =	vadd.s32 v0, v1  }
.Ltmp7:
0x16c: {  	_ = 	snop;
	(pc) =	sbr.rel @p0 .LBB2_7-.Ltmp7, $4  }
0x16d: {  	_ = 	snop  }
0x16e: {  	v3 =	vmpcnt.ones.xlane vm15  }
0x16f: {  	v4 =	vor.u32 s25, v13  }
0x170: {  	s25 =	sadd.s32 $0x80, s25;
	s26 =	sadd.s32 $0x80, s26;
	v3 =	vadd.s32 v0, v3;
	[tilespmem:v1+s19+$0x0] =	vst.idx.msk vm15, v4  }
0x171: {  	v0 =	vadd.s32 $0x80000001, v3  }
0x172: {  	(xrf0) =	vmax.scan.msk.u32 $0xffff, v0;
	_ =	sdelay $0x5  }
0x173: {  	v0, _, _ =	vpop (xrf0)  }
0x174: {  	(v2sf) =	vpush v0, $0xF;
	_ =	sdelay $0xe  }
0x175: {  	s24 =	spop (v2sf)  }
0x176: {  	s24 =	sadd.s32 $0x8000000F, s24  }
0x177: {  	s25 =	sand.u32 $0xF, s24  }
0x178: {  	s31 =	sshra.s32 s24, $0x1F;
	p1 =	slt.s32 s24, $0x1;
	p0 =	sne.s32 s25, $0x0  }
0x179: {  	s25 =	sshrl.u32 s31, $0x1C;
	p0 =	por !p1, !p0  }
0x17a: {  	s24 =	sadd.s32 s25, s24;
	s25 =	simm.s32 $0x1;
	p0 =	por !p0, !p0  }
0x17b: {  	s24 =	sshra.s32 s24, $0x4;
	s25 =	simm.s32 @!p0 $0x0  }
0x17c: {  	s24 =	ssub.s32 s24, s25  }
0x17d: {  	p0 =	slt.s32 s24, $0x1  }
.Ltmp8:
0x17e: {  	_ = 	snop;
	(pc) =	sbr.rel @p0 .LBB2_9-.Ltmp8, $2  }
0x17f: {  	_ =	sdelay $0x2  }
0x180: {  	v2 =	vimm.s32 $0x0  }
0x181: {  	s25 =	simm.s32 $0x10000  }
0x182: {  	v0 =	vld [tilespmem:s25+$0x0];
	_ =	sdelay $0x1  }
0x183: {  	s31 =	simm.s32 $0x0  }
0x184: {  	v5 =	vadd.s32 $0x1, v3;
	v1 =	vor.u32 s31, v13  }
0x185: {  	vm0 =	vlt.s32 v1, v5  }
0x186: {  	v0 =	vnsel vm0, $0x0, v0;
	_ =	sdelay $0x4  }
0x187: {  	v1 =	vld.idx.msk [tilespmem:v0+s20+$0x0], $0xffff  }
0x188: {  	p1 =	sne.s32 s24, $0x1  }
.Ltmp9:
0x189: {  	_ = 	snop;
	(pc) =	sbr.rel @!p1 .LBB2_11-.Ltmp9, $3  }
0x18a: {  	_ =	sdelay $0x1  }
0x18b: {  	v1 =	vnsel vm0, $0x7F800000, v1  }
0x18c: {  	v3 =	vimm.f32 $+Inf;
	s26 =	sadd.s32 $0xFFFFFFFF, s24;
	p0 =	por $0x0, $0x0;
	v4 =	vmul.u32 $0xFFFFFFFF, v13;
	(xrf1) =	vsort.ascd.msk.f32 $0xffff, v1, v0  }
0x18d: {  	_ =	sdelay $0x3  }
0x18e: {  	s24 =	simm.s32 $0x10010  }
0x18f: {  	v0 =	vld [tilespmem:s24+$0x0];
	_ =	sdelay $0x1  }
0x190: {  	s25 =	simm.s32 $0x10  }
0x191: {  	v1 =	vor.u32 s25, v13  }
0x192: {  	vm0 =	vlt.s32 v1, v5  }
0x193: {  	v0 =	vnsel vm0, $0x0, v0;
	_ =	sdelay $0x2  }
0x194: {  	v6 =	vadd.s32 $0xF, v4;
	v1, v7, _ =	vpop (xrf1)  }
0x195: {  	v1 =	vperm.xlane v1, v6  }
0x196: {  	v8 =	vld.idx.msk [tilespmem:v0+s20+$0x0], $0xffff;
	v7 =	vperm.xlane v7, v6  }
0x197: {  	p1 =	sne.s32 s26, $0x1;
	vm1 =	vle.f32 v3, v1  }
.Ltmp10:
0x198: {  	v1 =	vsel vm1, v3, v1;
	v7 =	vsel vm1, v2, v7;
	(pc) =	sbr.rel @!p1 .LBB2_13-.Ltmp10, $3  }
0x199: {  	(xrf1) =	vsort.ascd.msk.f32 $0xffff, v1, v7;
	_ =	sdelay $0x1  }
0x19a: {  	v1 =	vnsel vm0, $0x7F800000, v8  }
0x19b: {  	s26 =	sadd.s32 $0xFFFFFFFF, s26;
	p0 =	por $0x1, $0x1;
	v8 =	vimm.f32 $+Inf;
	v7 =	vimm.s32 $0x0;
	(xrf1) =	vsort.ascd.msk.f32 $0xffff, v1, v0  }
.LBB2_14:
0x19c: {  	_ = 	snop  }
0x19d: {  	p1 =	sne.s32 s26, $0x1;
	s26 =	sadd.s32 $0xFFFFFFFF, s26;
	_ =	sdelay $0x8  }
0x19e: {  	v0, v1, _ =	vpop (xrf1)  }
0x19f: {  	v0 =	vperm.xlane v0, v6  }
0x1a0: {  	v1 =	vperm.xlane v1, v6  }
0x1a1: {  	v9, v10, _ =	vpop (xrf1);
	vm0 =	vle.f32 v8, v0  }
0x1a2: {  	v9 =	vperm.xlane v9, v6;
	v11 =	vsel vm0, v0, v8;
	v12 =	vsel vm0, v1, v7  }
0x1a3: {  	v0 =	vsel vm0, v8, v0;
	v1 =	vsel vm0, v7, v1;
	(xrf1) =	vsort.ascd.msk.f32 $0xffff, v11, v12  }
0x1a4: {  	(xrf1) =	vsort.ascd.msk.f32 $0xffff, v0, v1  }
0x1a5: {  	s24 =	sadd.s32 $0x10, s24  }
0x1a6: {  	v0 =	vld [tilespmem:s24+$0x0];
	_ =	sdelay $0x1  }
0x1a7: {  	s25 =	sadd.s32 $0x10, s25  }
0x1a8: {  	v1 =	vor.u32 s25, v13  }
0x1a9: {  	vm0 =	vlt.s32 v1, v5  }
0x1aa: {  	v0 =	vnsel vm0, $0x0, v0;
	_ =	sdelay $0x4  }
0x1ab: {  	v1 =	vld.idx.msk [tilespmem:v0+s20+$0x0], $0xffff  }
0x1ac: {  	v10 =	vperm.xlane v10, v6;
	v11, v12, _ =	vpop (xrf1)  }
0x1ad: {  	vm1 =	vle.f32 v11, v9;
	v8, v7, _ =	vpop (xrf1)  }
.Ltmp11:
0x1ae: {  	v9 =	vsel vm1, v11, v9;
	v10 =	vsel vm1, v12, v10;
	(pc) =	sbr.rel @p1 .LBB2_14-.Ltmp11, $3  }
0x1af: {  	(xrf1) =	vsort.ascd.msk.f32 $0xffff, v9, v10;
	_ =	sdelay $0x1  }
0x1b0: {  	v1 =	vnsel vm0, $0x7F800000, v1  }
0x1b1: {  	(xrf1) =	vsort.ascd.msk.f32 $0xffff, v1, v0  }
.LBB2_15:
0x1b2: {  	_ =	sdelay $0x9  }
0x1b3: {  	v0, v1, _ =	vpop @p0 (xrf1)  }
0x1b4: {  	v0 =	vperm.xlane @p0 v0, v6  }
0x1b5: {  	v1 =	vperm.xlane @p0 v1, v6  }
0x1b6: {  	vm0 =	vle.f32 @p0 v8, v0  }
0x1b7: {  	v5 =	vsel @p0 vm0, v0, v8;
	v6 =	vsel @p0 vm0, v1, v7  }
0x1b8: {  	(xrf1) =	vsort.ascd.msk.f32 @p0 $0xffff, v5, v6;
	_ =	sdelay $0xc  }
0x1b9: {  	v4 =	vadd.s32 $0xF, v4;
	v5, v6, _ =	vpop (xrf1)  }
0x1ba: {  	v5 =	vperm.xlane v5, v4;
	v9, v10, _ =	vpop @p0 (xrf1)  }
0x1bb: {  	v0 =	vsel @p0 vm0, v8, v0;
	v6 =	vperm.xlane v6, v4;
	v61 =	vpsel p0, v9, v3  }
0x1bc: {  	v1 =	vsel @p0 vm0, v7, v1;
	v62 =	vpsel p0, v10, v2;
	vm14 =	vle.f32 v61, v5  }
0x1bd: {  	(xrf1) =	vsort.ascd.msk.f32 @p0 $0xffff, v0, v1;
	v0 =	vsel vm14, v61, v5;
	v1 =	vsel vm14, v62, v6  }
0x1be: {  	(xrf1) =	vsort.ascd.msk.f32 $0xffff, v0, v1;
	_ =	sdelay $0xc  }
0x1bf: {  	v0, v1, _ =	vpop @p0 (xrf1)  }
0x1c0: {  	v5, v63, _ =	vpop (xrf1)  }
0x1c1: {  	v5 =	vperm.xlane v5, v4  }
0x1c2: {  	v0 =	vpsel p0, v0, v3;
	v3 =	vperm.xlane v63, v4  }
0x1c3: {  	v1 =	vpsel p0, v1, v2;
	vm15 =	vle.f32 v0, v5  }
0x1c4: {  	v2 =	vsel vm15, v5, v0;
	v4 =	vsel vm15, v3, v1  }
0x1c5: {  	v0 =	vsel vm15, v0, v5;
	v1 =	vsel vm15, v1, v3;
	(xrf1) =	vsort.ascd.msk.f32 $0xffff, v2, v4  }
0x1c6: {  	(xrf1) =	vsort.ascd.msk.f32 $0xffff, v0, v1;
	_ =	sdelay $0x9  }
.Ltmp12:
0x1c7: {  	_ = 	snop;
	(pc) =	sbr.rel .LBB2_16-.Ltmp12, $3  }
0x1c8: {  	_ =	sdelay $0x1  }
0x1c9: {  	v0, v3, _ =	vpop (xrf1)  }
0x1ca: {  	v0, v2, _ =	vpop (xrf1)  }
.LBB2_11:
.Ltmp13:
0x1cb: {  	(pc) =	sbr.rel .LBB2_15-.Ltmp13, $2  }
0x1cc: {  	_ =	sdelay $0x2  }
0x1cd: {  	v8 =	vimm.f32 $+Inf;
	v7 =	vimm.s32 $0x0  }
.LBB2_13:
.Ltmp14:
0x1ce: {  	(pc) =	sbr.rel .LBB2_15-.Ltmp14, $2  }
0x1cf: {  	_ =	sdelay $0x2  }
0x1d0: {  	v8 =	vimm.f32 $+Inf;
	v7 =	vimm.s32 $0x0  }
.LBB2_18:
0x1d1: {  	_ =	sfence.sel $0x180000  }
0x1d2: {  	[bflag:$0x0] =	sbarrier.arrive $0xFFFF  }
0x1d3: {  	p0 =	sne.s32 s1, $0x0;
	_ =	strace $0x90000047  }
0x1d4: {  	s0 =	sadd.s32 @!p0 $0x100000, s0;
	[bflag:$0x2] =	sbarrier.arrive $0xFFFF  }
0x1d5: {  	[sflag:s0] =	ssyncadd.tile.s32 @!p0 $0x1;
	_ =	shalt  }
.Lfunc_end2:
_tile_overlayer_lowered:
.L_overlay_start_2:
0x1d6: {  	(tag) =	ssettag $0x2  }
0x1d7: {  	s0 =	rddreg [dreg:$0x0];
	s2 =	stileid.u32  }
0x1d8: {  	s1 =	rddreg [dreg:$0x1];
	p0 =	sne.s32 s2, $0x0  }
0x1d9: {  	s3 =	rddreg [dreg:$0x2];
	[bflag:$0x3] =	sbarrier.arrive $0xFFFF;
	s2 =	simm.s32 @!p0 $0x1C01  }
0x1da: {  	[timem:s3], [sflag:s2] =	dma.local @!p0 [hbm:s0], s1  }
0x1db: {  	s0 =	simm.s32 @!p0 $0x1  }
0x1dc: {  	_ =	swait.ge @!p0 [sflag:s0], s1  }
0x1dd: {  	s1 =	ssub.s32 @!p0 $0x0, s1;
	[sflag:s0] =	ssyncset.done @!p0 $0x0  }
0x1de: {  	[sflag:s0] =	ssyncadd.s32 @!p0 s1  }
0x1df: {  	[bflag:$0x3] =	sbarrier.arrive $0xFFFF  }
0x1e0: {  	_ =	shalt  }

</sc_bundles>
